<compile_context>
chip_gen: v7x
topology: tpu7x:2x2x1
jax: 0.10.2.dev20260603
libtpu: 0.0.44.dev20260713+nightly
codegen_flags: <defaults>
</compile_context>

<pallas_src>
import functools

import jax
import jax.numpy as jnp
from jax import lax
from jax.experimental import pallas as pl
from jax.experimental.pallas import tpu as pltpu
from jax.experimental.pallas import tpu_sc as plsc

NE = 8192
ED = 256
ROWS_BLOCK = 512
WINDOWS = ((0, 2816), (2816, 5632), (5632, 8192))


def _argmin_body(x_ref, emb_ref, xsq_ref, esq_ref, iota_ref, out_ref):
    x = x_ref[...]
    emb = emb_ref[...]
    x_sq = xsq_ref[...]
    e_sq = esq_ref[...]
    iota = iota_ref[...]
    sim = jnp.dot(x, emb, preferred_element_type=jnp.float32)
    d = (x_sq + e_sq) - (sim * 2.0)

    acc_v = jnp.full((x.shape[0],), jnp.inf, jnp.float32)
    acc_i = jnp.full((x.shape[0],), jnp.inf, jnp.float32)
    for lo, hi in WINDOWS:
        blk = d[:, lo:hi]
        v = jnp.min(blk, axis=1)
        it = jnp.broadcast_to(iota[:, lo:hi], blk.shape)
        vi = jnp.min(jnp.where(blk <= v[:, None], it, jnp.inf), axis=1)
        steal = v < acc_v
        acc_v = jnp.where(steal, v.astype(jnp.bfloat16).astype(jnp.float32),
                          acc_v)
        acc_i = jnp.where(steal, vi, acc_i)
    out_ref[...] = acc_i.astype(jnp.int32)


def _compute_indices(flat, embeddings, x_sq, e_sq, iota):
    b = flat.shape[0]
    grid = b // ROWS_BLOCK
    return pl.pallas_call(
        _argmin_body,
        grid=(grid,),
        in_specs=[
            pl.BlockSpec((ROWS_BLOCK, ED), lambda i: (i, 0)),
            pl.BlockSpec((ED, NE), lambda i: (0, 0)),
            pl.BlockSpec((ROWS_BLOCK, 1), lambda i: (i, 0)),
            pl.BlockSpec((1, NE), lambda i: (0, 0)),
            pl.BlockSpec((1, NE), lambda i: (0, 0)),
        ],
        out_specs=pl.BlockSpec((ROWS_BLOCK,), lambda i: (i,)),
        out_shape=jax.ShapeDtypeStruct((b,), jnp.int32),
    )(flat, embeddings, x_sq, e_sq, iota)


def _gather_rows(table, idx):
    info = plsc.get_sparse_core_info()
    nc, ns = info.num_cores, info.num_subcores
    nw = nc * ns
    b = idx.shape[0]
    b_per_w = b // nw
    ch = 128
    nch = b_per_w // ch
    mesh = plsc.VectorSubcoreMesh(core_axis_name="c", subcore_axis_name="s")

    @functools.partial(
        pl.kernel,
        mesh=mesh,
        out_type=jax.ShapeDtypeStruct((b, ED), jnp.float32),
        scratch_types=[
            pltpu.VMEM((b_per_w,), jnp.int32),
            pltpu.VMEM((ch, ED), jnp.float32),
            pltpu.VMEM((ch, ED), jnp.float32),
            pltpu.SemaphoreType.DMA,
            pltpu.SemaphoreType.DMA,
        ],
    )
    def gk(table_hbm, idx_hbm, out_hbm, idx_v, buf0, buf1, s0, s1):
        wid = lax.axis_index("s") * nc + lax.axis_index("c")
        base = wid * b_per_w
        pltpu.sync_copy(idx_hbm.at[pl.ds(base, b_per_w)], idx_v)
        bufs = (buf0, buf1)
        sems = (s0, s1)

        def start(c):
            return pltpu.async_copy(
                table_hbm.at[idx_v.at[pl.ds(c * ch, ch)]],
                bufs[c % 2],
                sems[c % 2],
            )

        cur = start(0)
        for c in range(nch):
            nxt = start(c + 1) if c + 1 < nch else None
            cur.wait()
            pltpu.sync_copy(bufs[c % 2], out_hbm.at[pl.ds(base + c * ch, ch)])
            cur = nxt

    return gk(table, idx)


def kernel(x, embeddings):
    input_shape = x.shape
    flat = x.reshape(-1, ED)
    x_sq = jnp.sum(flat ** 2, axis=1, keepdims=True)
    e_sq = jnp.sum(embeddings ** 2, axis=0, keepdims=True)
    iota = jnp.arange(NE, dtype=jnp.float32).reshape(1, NE)
    indices = _compute_indices(flat, embeddings, x_sq, e_sq, iota)
    table = embeddings.T.astype(jnp.bfloat16).astype(jnp.float32)
    quant = _gather_rows(table, indices)
    return quant.reshape(input_shape)

# --- scband reference (transcript-rebuilt; emitter-appended) ---
"""Pipeline reference for scband-vector-quantizer-18932215840813 (READ-ONLY COPY).

The authoritative reference and input builder live on the scoring server;
editing this copy changes nothing except your own understanding.
"""

import jax, jax.numpy as jnp
import numpy as np

NUM_EMBEDDINGS = 8192
EMBEDDING_DIM = 256
BETA = 0.25


def setup_inputs(seed: int = 0) -> dict:
    key = jax.random.key(seed)
    k1, k2 = jax.random.split(key)
    x = jax.random.normal(k1, (32, 32, 32, EMBEDDING_DIM), dtype=jnp.float32)
    # tf.random_uniform_initializer default range is [-0.05, 0.05)
    embeddings = jax.random.uniform(
        k2, (EMBEDDING_DIM, NUM_EMBEDDINGS), dtype=jnp.float32, minval=-0.05, maxval=0.05
    )
    return {"x": x, "embeddings": embeddings}


def get_code_indices(flattened_inputs, embeddings):
    similarity = flattened_inputs @ embeddings
    distances = (
        jnp.sum(flattened_inputs ** 2, axis=1, keepdims=True)
        + jnp.sum(embeddings ** 2, axis=0)
        - 2.0 * similarity
    )
    encoding_indices = jnp.argmin(distances, axis=1)
    return encoding_indices


def reference(x, embeddings):
    input_shape = x.shape
    flattened = x.reshape(-1, EMBEDDING_DIM)
    encoding_indices = get_code_indices(flattened, embeddings)
    encodings = jax.nn.one_hot(encoding_indices, NUM_EMBEDDINGS, dtype=flattened.dtype)
    quantized = encodings @ embeddings.T
    quantized = quantized.reshape(input_shape)
    # straight-through estimator
    quantized = x + jax.lax.stop_gradient(quantized - x)
    return quantized

if __name__ == "__main__":
    import jax
    _d = setup_inputs()
    print(jax.jit(kernel)(*tuple(_d.values())))

</pallas_src>

<mosaic_0001>
#map = affine_map<(d0, d1) -> (0, 0)>
#map1 = affine_map<(d0, d1) -> (0)>
module attributes {stable_mosaic.version = 14 : i64} {
  func.func @gk(%arg0: i32, %arg1: i32, %arg2: memref<8192x256xf32, #tpu.memory_space<hbm>>, %arg3: memref<32768xi32, #tpu.memory_space<hbm>>, %arg4: memref<32768x256xf32, #tpu.memory_space<hbm>>, %arg5: memref<1024xi32, #tpu.memory_space<vmem>>, %arg6: memref<128x256xf32, #tpu.memory_space<vmem>>, %arg7: memref<128x256xf32, #tpu.memory_space<vmem>>, %arg8: memref<!tpu.dma_semaphore, #tpu.memory_space<semaphore_mem>>, %arg9: memref<!tpu.dma_semaphore, #tpu.memory_space<semaphore_mem>>) attributes {dimension_semantics = [#tpu.dimension_semantics<core_parallel>, #tpu.dimension_semantics<subcore_parallel>], iteration_bounds = array<i64: 2, 16>, scalar_prefetch = 0 : i64, scratch_operands = 5 : i64, tpu.core_type = #tpu.core_type<sc_vector_subcore>, window_params = [{transform_indices = #map}, {transform_indices = #map1}, {transform_indices = #map}]} {
    %mul3A = arith.constant 2 : i32
    %mul3A_0 = arith.muli %arg1, %mul3A : i32
    %add3A = arith.addi %mul3A_0, %arg0 : i32
    %mul3A_1 = arith.constant 1024 : i32
    %mul3A_2 = arith.muli %add3A, %mul3A_1 : i32
    "tpu.region"() ({
      %run_scoped3A = tpu.sem_alloc : memref<!tpu.dma_semaphore, #tpu.memory_space<semaphore_mem>>
      %dma_start3A_97 = tpu.memref_slice %arg3[%mul3A_2] : memref<32768xi32, #tpu.memory_space<hbm>> -> memref<1024xi32, #tpu.memory_space<hbm>>
      %dma_start3A_98 = tpu.memref_slice %arg3[%mul3A_2] : memref<32768xi32, #tpu.memory_space<hbm>> -> memref<1024xi32, #tpu.memory_space<hbm>>
      tpu.enqueue_dma source(%dma_start3A_98 : memref<1024xi32, #tpu.memory_space<hbm>>) target(%arg5 : memref<1024xi32, #tpu.memory_space<vmem>>) target_semaphore(%run_scoped3A : memref<!tpu.dma_semaphore, #tpu.memory_space<semaphore_mem>>)
      %dma_wait3A_99 = tpu.memref_slice %arg3[%mul3A_2] : memref<32768xi32, #tpu.memory_space<hbm>> -> memref<1024xi32, #tpu.memory_space<hbm>>
      %dma_wait3A_100 = tpu.memref_slice %arg3[%mul3A_2] : memref<32768xi32, #tpu.memory_space<hbm>> -> memref<1024xi32, #tpu.memory_space<hbm>>
      tpu.wait_dma2 semaphore(%run_scoped3A : memref<!tpu.dma_semaphore, #tpu.memory_space<semaphore_mem>>) src(%dma_wait3A_100 : memref<1024xi32, #tpu.memory_space<hbm>>) dst(%arg5 : memref<1024xi32, #tpu.memory_space<vmem>>)
      tpu.yield
    }) : () -> ()
    %dma_start3A = arith.constant 0 : i32
    %dma_start3A_3 = tpu.memref_slice %arg5[%dma_start3A] : memref<1024xi32, #tpu.memory_space<vmem>> -> memref<128xi32, #tpu.memory_space<vmem>>
    %dma_start3A_4 = arith.constant 0 : i32
    %dma_start3A_5 = arith.constant 0 : i32
    %dma_start3A_6 = tpu.memref_slice %arg2[%dma_start3A_4, %dma_start3A_5] : memref<8192x256xf32, #tpu.memory_space<hbm>> -> memref<8192x256xf32, #tpu.memory_space<hbm>>
    tpu.enqueue_indirect_dma source(%dma_start3A_6 : memref<8192x256xf32, #tpu.memory_space<hbm>>) target(%arg6 : memref<128x256xf32, #tpu.memory_space<vmem>>) offsets(%dma_start3A_3 : memref<128xi32, #tpu.memory_space<vmem>>) semaphore(%arg8 : memref<!tpu.dma_semaphore, #tpu.memory_space<semaphore_mem>>)
    %dma_start3A_7 = arith.constant 128 : i32
    %dma_start3A_8 = tpu.memref_slice %arg5[%dma_start3A_7] : memref<1024xi32, #tpu.memory_space<vmem>> -> memref<128xi32, #tpu.memory_space<vmem>>
    %dma_start3A_9 = arith.constant 0 : i32
    %dma_start3A_10 = arith.constant 0 : i32
    %dma_start3A_11 = tpu.memref_slice %arg2[%dma_start3A_9, %dma_start3A_10] : memref<8192x256xf32, #tpu.memory_space<hbm>> -> memref<8192x256xf32, #tpu.memory_space<hbm>>
    tpu.enqueue_indirect_dma source(%dma_start3A_11 : memref<8192x256xf32, #tpu.memory_space<hbm>>) target(%arg7 : memref<128x256xf32, #tpu.memory_space<vmem>>) offsets(%dma_start3A_8 : memref<128xi32, #tpu.memory_space<vmem>>) semaphore(%arg9 : memref<!tpu.dma_semaphore, #tpu.memory_space<semaphore_mem>>)
    %dma_wait3A = arith.constant 0 : i32
    %dma_wait3A_12 = tpu.memref_slice %arg5[%dma_wait3A] : memref<1024xi32, #tpu.memory_space<vmem>> -> memref<128xi32, #tpu.memory_space<vmem>>
    %dma_wait3A_13 = arith.constant 0 : i32
    %dma_wait3A_14 = arith.constant 0 : i32
    %dma_wait3A_15 = tpu.memref_slice %arg2[%dma_wait3A_13, %dma_wait3A_14] : memref<8192x256xf32, #tpu.memory_space<hbm>> -> memref<8192x256xf32, #tpu.memory_space<hbm>>
    tpu.wait_indirect_dma semaphore(%arg8 : memref<!tpu.dma_semaphore, #tpu.memory_space<semaphore_mem>>) src(%dma_wait3A_15 : memref<8192x256xf32, #tpu.memory_space<hbm>>) dst(%arg6 : memref<128x256xf32, #tpu.memory_space<vmem>>)
    %add3A_16 = arith.constant 0 : i32
    %add3A_17 = arith.addi %mul3A_2, %add3A_16 : i32
    "tpu.region"() ({
      %run_scoped3A = tpu.sem_alloc : memref<!tpu.dma_semaphore, #tpu.memory_space<semaphore_mem>>
      %dma_start3A_97 = arith.constant 0 : i32
      %dma_start3A_98 = tpu.memref_slice %arg4[%add3A_17, %dma_start3A_97] : memref<32768x256xf32, #tpu.memory_space<hbm>> -> memref<128x256xf32, #tpu.memory_space<hbm>>
      %dma_start3A_99 = arith.constant 0 : i32
      %dma_start3A_100 = tpu.memref_slice %arg4[%add3A_17, %dma_start3A_99] : memref<32768x256xf32, #tpu.memory_space<hbm>> -> memref<128x256xf32, #tpu.memory_space<hbm>>
      tpu.enqueue_dma source(%arg6 : memref<128x256xf32, #tpu.memory_space<vmem>>) target(%dma_start3A_100 : memref<128x256xf32, #tpu.memory_space<hbm>>) target_semaphore(%run_scoped3A : memref<!tpu.dma_semaphore, #tpu.memory_space<semaphore_mem>>)
      %dma_wait3A_101 = arith.constant 0 : i32
      %dma_wait3A_102 = tpu.memref_slice %arg4[%add3A_17, %dma_wait3A_101] : memref<32768x256xf32, #tpu.memory_space<hbm>> -> memref<128x256xf32, #tpu.memory_space<hbm>>
      %dma_wait3A_103 = arith.constant 0 : i32
      %dma_wait3A_104 = tpu.memref_slice %arg4[%add3A_17, %dma_wait3A_103] : memref<32768x256xf32, #tpu.memory_space<hbm>> -> memref<128x256xf32, #tpu.memory_space<hbm>>
      tpu.wait_dma2 semaphore(%run_scoped3A : memref<!tpu.dma_semaphore, #tpu.memory_space<semaphore_mem>>) src(%arg6 : memref<128x256xf32, #tpu.memory_space<vmem>>) dst(%dma_wait3A_104 : memref<128x256xf32, #tpu.memory_space<hbm>>)
      tpu.yield
    }) : () -> ()
    %dma_start3A_18 = arith.constant 256 : i32
    %dma_start3A_19 = tpu.memref_slice %arg5[%dma_start3A_18] : memref<1024xi32, #tpu.memory_space<vmem>> -> memref<128xi32, #tpu.memory_space<vmem>>
    %dma_start3A_20 = arith.constant 0 : i32
    %dma_start3A_21 = arith.constant 0 : i32
    %dma_start3A_22 = tpu.memref_slice %arg2[%dma_start3A_20, %dma_start3A_21] : memref<8192x256xf32, #tpu.memory_space<hbm>> -> memref<8192x256xf32, #tpu.memory_space<hbm>>
    tpu.enqueue_indirect_dma source(%dma_start3A_22 : memref<8192x256xf32, #tpu.memory_space<hbm>>) target(%arg6 : memref<128x256xf32, #tpu.memory_space<vmem>>) offsets(%dma_start3A_19 : memref<128xi32, #tpu.memory_space<vmem>>) semaphore(%arg8 : memref<!tpu.dma_semaphore, #tpu.memory_space<semaphore_mem>>)
    %dma_wait3A_23 = arith.constant 128 : i32
    %dma_wait3A_24 = tpu.memref_slice %arg5[%dma_wait3A_23] : memref<1024xi32, #tpu.memory_space<vmem>> -> memref<128xi32, #tpu.memory_space<vmem>>
    %dma_wait3A_25 = arith.constant 0 : i32
    %dma_wait3A_26 = arith.constant 0 : i32
    %dma_wait3A_27 = tpu.memref_slice %arg2[%dma_wait3A_25, %dma_wait3A_26] : memref<8192x256xf32, #tpu.memory_space<hbm>> -> memref<8192x256xf32, #tpu.memory_space<hbm>>
    tpu.wait_indirect_dma semaphore(%arg9 : memref<!tpu.dma_semaphore, #tpu.memory_space<semaphore_mem>>) src(%dma_wait3A_27 : memref<8192x256xf32, #tpu.memory_space<hbm>>) dst(%arg7 : memref<128x256xf32, #tpu.memory_space<vmem>>)
    %add3A_28 = arith.constant 128 : i32
    %add3A_29 = arith.addi %mul3A_2, %add3A_28 : i32
    "tpu.region"() ({
      %run_scoped3A = tpu.sem_alloc : memref<!tpu.dma_semaphore, #tpu.memory_space<semaphore_mem>>
      %dma_start3A_97 = arith.constant 0 : i32
      %dma_start3A_98 = tpu.memref_slice %arg4[%add3A_29, %dma_start3A_97] : memref<32768x256xf32, #tpu.memory_space<hbm>> -> memref<128x256xf32, #tpu.memory_space<hbm>>
      %dma_start3A_99 = arith.constant 0 : i32
      %dma_start3A_100 = tpu.memref_slice %arg4[%add3A_29, %dma_start3A_99] : memref<32768x256xf32, #tpu.memory_space<hbm>> -> memref<128x256xf32, #tpu.memory_space<hbm>>
      tpu.enqueue_dma source(%arg7 : memref<128x256xf32, #tpu.memory_space<vmem>>) target(%dma_start3A_100 : memref<128x256xf32, #tpu.memory_space<hbm>>) target_semaphore(%run_scoped3A : memref<!tpu.dma_semaphore, #tpu.memory_space<semaphore_mem>>)
      %dma_wait3A_101 = arith.constant 0 : i32
      %dma_wait3A_102 = tpu.memref_slice %arg4[%add3A_29, %dma_wait3A_101] : memref<32768x256xf32, #tpu.memory_space<hbm>> -> memref<128x256xf32, #tpu.memory_space<hbm>>
      %dma_wait3A_103 = arith.constant 0 : i32
      %dma_wait3A_104 = tpu.memref_slice %arg4[%add3A_29, %dma_wait3A_103] : memref<32768x256xf32, #tpu.memory_space<hbm>> -> memref<128x256xf32, #tpu.memory_space<hbm>>
      tpu.wait_dma2 semaphore(%run_scoped3A : memref<!tpu.dma_semaphore, #tpu.memory_space<semaphore_mem>>) src(%arg7 : memref<128x256xf32, #tpu.memory_space<vmem>>) dst(%dma_wait3A_104 : memref<128x256xf32, #tpu.memory_space<hbm>>)
      tpu.yield
    }) : () -> ()
    %dma_start3A_30 = arith.constant 384 : i32
    %dma_start3A_31 = tpu.memref_slice %arg5[%dma_start3A_30] : memref<1024xi32, #tpu.memory_space<vmem>> -> memref<128xi32, #tpu.memory_space<vmem>>
    %dma_start3A_32 = arith.constant 0 : i32
    %dma_start3A_33 = arith.constant 0 : i32
    %dma_start3A_34 = tpu.memref_slice %arg2[%dma_start3A_32, %dma_start3A_33] : memref<8192x256xf32, #tpu.memory_space<hbm>> -> memref<8192x256xf32, #tpu.memory_space<hbm>>
    tpu.enqueue_indirect_dma source(%dma_start3A_34 : memref<8192x256xf32, #tpu.memory_space<hbm>>) target(%arg7 : memref<128x256xf32, #tpu.memory_space<vmem>>) offsets(%dma_start3A_31 : memref<128xi32, #tpu.memory_space<vmem>>) semaphore(%arg9 : memref<!tpu.dma_semaphore, #tpu.memory_space<semaphore_mem>>)
    %dma_wait3A_35 = arith.constant 256 : i32
    %dma_wait3A_36 = tpu.memref_slice %arg5[%dma_wait3A_35] : memref<1024xi32, #tpu.memory_space<vmem>> -> memref<128xi32, #tpu.memory_space<vmem>>
    %dma_wait3A_37 = arith.constant 0 : i32
    %dma_wait3A_38 = arith.constant 0 : i32
    %dma_wait3A_39 = tpu.memref_slice %arg2[%dma_wait3A_37, %dma_wait3A_38] : memref<8192x256xf32, #tpu.memory_space<hbm>> -> memref<8192x256xf32, #tpu.memory_space<hbm>>
    tpu.wait_indirect_dma semaphore(%arg8 : memref<!tpu.dma_semaphore, #tpu.memory_space<semaphore_mem>>) src(%dma_wait3A_39 : memref<8192x256xf32, #tpu.memory_space<hbm>>) dst(%arg6 : memref<128x256xf32, #tpu.memory_space<vmem>>)
    %add3A_40 = arith.constant 256 : i32
    %add3A_41 = arith.addi %mul3A_2, %add3A_40 : i32
    "tpu.region"() ({
      %run_scoped3A = tpu.sem_alloc : memref<!tpu.dma_semaphore, #tpu.memory_space<semaphore_mem>>
      %dma_start3A_97 = arith.constant 0 : i32
      %dma_start3A_98 = tpu.memref_slice %arg4[%add3A_41, %dma_start3A_97] : memref<32768x256xf32, #tpu.memory_space<hbm>> -> memref<128x256xf32, #tpu.memory_space<hbm>>
      %dma_start3A_99 = arith.constant 0 : i32
      %dma_start3A_100 = tpu.memref_slice %arg4[%add3A_41, %dma_start3A_99] : memref<32768x256xf32, #tpu.memory_space<hbm>> -> memref<128x256xf32, #tpu.memory_space<hbm>>
      tpu.enqueue_dma source(%arg6 : memref<128x256xf32, #tpu.memory_space<vmem>>) target(%dma_start3A_100 : memref<128x256xf32, #tpu.memory_space<hbm>>) target_semaphore(%run_scoped3A : memref<!tpu.dma_semaphore, #tpu.memory_space<semaphore_mem>>)
      %dma_wait3A_101 = arith.constant 0 : i32
      %dma_wait3A_102 = tpu.memref_slice %arg4[%add3A_41, %dma_wait3A_101] : memref<32768x256xf32, #tpu.memory_space<hbm>> -> memref<128x256xf32, #tpu.memory_space<hbm>>
      %dma_wait3A_103 = arith.constant 0 : i32
      %dma_wait3A_104 = tpu.memref_slice %arg4[%add3A_41, %dma_wait3A_103] : memref<32768x256xf32, #tpu.memory_space<hbm>> -> memref<128x256xf32, #tpu.memory_space<hbm>>
      tpu.wait_dma2 semaphore(%run_scoped3A : memref<!tpu.dma_semaphore, #tpu.memory_space<semaphore_mem>>) src(%arg6 : memref<128x256xf32, #tpu.memory_space<vmem>>) dst(%dma_wait3A_104 : memref<128x256xf32, #tpu.memory_space<hbm>>)
      tpu.yield
    }) : () -> ()
    %dma_start3A_42 = arith.constant 512 : i32
    %dma_start3A_43 = tpu.memref_slice %arg5[%dma_start3A_42] : memref<1024xi32, #tpu.memory_space<vmem>> -> memref<128xi32, #tpu.memory_space<vmem>>
    %dma_start3A_44 = arith.constant 0 : i32
    %dma_start3A_45 = arith.constant 0 : i32
    %dma_start3A_46 = tpu.memref_slice %arg2[%dma_start3A_44, %dma_start3A_45] : memref<8192x256xf32, #tpu.memory_space<hbm>> -> memref<8192x256xf32, #tpu.memory_space<hbm>>
    tpu.enqueue_indirect_dma source(%dma_start3A_46 : memref<8192x256xf32, #tpu.memory_space<hbm>>) target(%arg6 : memref<128x256xf32, #tpu.memory_space<vmem>>) offsets(%dma_start3A_43 : memref<128xi32, #tpu.memory_space<vmem>>) semaphore(%arg8 : memref<!tpu.dma_semaphore, #tpu.memory_space<semaphore_mem>>)
    %dma_wait3A_47 = arith.constant 384 : i32
    %dma_wait3A_48 = tpu.memref_slice %arg5[%dma_wait3A_47] : memref<1024xi32, #tpu.memory_space<vmem>> -> memref<128xi32, #tpu.memory_space<vmem>>
    %dma_wait3A_49 = arith.constant 0 : i32
    %dma_wait3A_50 = arith.constant 0 : i32
    %dma_wait3A_51 = tpu.memref_slice %arg2[%dma_wait3A_49, %dma_wait3A_50] : memref<8192x256xf32, #tpu.memory_space<hbm>> -> memref<8192x256xf32, #tpu.memory_space<hbm>>
    tpu.wait_indirect_dma semaphore(%arg9 : memref<!tpu.dma_semaphore, #tpu.memory_space<semaphore_mem>>) src(%dma_wait3A_51 : memref<8192x256xf32, #tpu.memory_space<hbm>>) dst(%arg7 : memref<128x256xf32, #tpu.memory_space<vmem>>)
    %add3A_52 = arith.constant 384 : i32
    %add3A_53 = arith.addi %mul3A_2, %add3A_52 : i32
    "tpu.region"() ({
      %run_scoped3A = tpu.sem_alloc : memref<!tpu.dma_semaphore, #tpu.memory_space<semaphore_mem>>
      %dma_start3A_97 = arith.constant 0 : i32
      %dma_start3A_98 = tpu.memref_slice %arg4[%add3A_53, %dma_start3A_97] : memref<32768x256xf32, #tpu.memory_space<hbm>> -> memref<128x256xf32, #tpu.memory_space<hbm>>
      %dma_start3A_99 = arith.constant 0 : i32
      %dma_start3A_100 = tpu.memref_slice %arg4[%add3A_53, %dma_start3A_99] : memref<32768x256xf32, #tpu.memory_space<hbm>> -> memref<128x256xf32, #tpu.memory_space<hbm>>
      tpu.enqueue_dma source(%arg7 : memref<128x256xf32, #tpu.memory_space<vmem>>) target(%dma_start3A_100 : memref<128x256xf32, #tpu.memory_space<hbm>>) target_semaphore(%run_scoped3A : memref<!tpu.dma_semaphore, #tpu.memory_space<semaphore_mem>>)
      %dma_wait3A_101 = arith.constant 0 : i32
      %dma_wait3A_102 = tpu.memref_slice %arg4[%add3A_53, %dma_wait3A_101] : memref<32768x256xf32, #tpu.memory_space<hbm>> -> memref<128x256xf32, #tpu.memory_space<hbm>>
      %dma_wait3A_103 = arith.constant 0 : i32
      %dma_wait3A_104 = tpu.memref_slice %arg4[%add3A_53, %dma_wait3A_103] : memref<32768x256xf32, #tpu.memory_space<hbm>> -> memref<128x256xf32, #tpu.memory_space<hbm>>
      tpu.wait_dma2 semaphore(%run_scoped3A : memref<!tpu.dma_semaphore, #tpu.memory_space<semaphore_mem>>) src(%arg7 : memref<128x256xf32, #tpu.memory_space<vmem>>) dst(%dma_wait3A_104 : memref<128x256xf32, #tpu.memory_space<hbm>>)
      tpu.yield
    }) : () -> ()
    %dma_start3A_54 = arith.constant 640 : i32
    %dma_start3A_55 = tpu.memref_slice %arg5[%dma_start3A_54] : memref<1024xi32, #tpu.memory_space<vmem>> -> memref<128xi32, #tpu.memory_space<vmem>>
    %dma_start3A_56 = arith.constant 0 : i32
    %dma_start3A_57 = arith.constant 0 : i32
    %dma_start3A_58 = tpu.memref_slice %arg2[%dma_start3A_56, %dma_start3A_57] : memref<8192x256xf32, #tpu.memory_space<hbm>> -> memref<8192x256xf32, #tpu.memory_space<hbm>>
    tpu.enqueue_indirect_dma source(%dma_start3A_58 : memref<8192x256xf32, #tpu.memory_space<hbm>>) target(%arg7 : memref<128x256xf32, #tpu.memory_space<vmem>>) offsets(%dma_start3A_55 : memref<128xi32, #tpu.memory_space<vmem>>) semaphore(%arg9 : memref<!tpu.dma_semaphore, #tpu.memory_space<semaphore_mem>>)
    %dma_wait3A_59 = arith.constant 512 : i32
    %dma_wait3A_60 = tpu.memref_slice %arg5[%dma_wait3A_59] : memref<1024xi32, #tpu.memory_space<vmem>> -> memref<128xi32, #tpu.memory_space<vmem>>
    %dma_wait3A_61 = arith.constant 0 : i32
    %dma_wait3A_62 = arith.constant 0 : i32
    %dma_wait3A_63 = tpu.memref_slice %arg2[%dma_wait3A_61, %dma_wait3A_62] : memref<8192x256xf32, #tpu.memory_space<hbm>> -> memref<8192x256xf32, #tpu.memory_space<hbm>>
    tpu.wait_indirect_dma semaphore(%arg8 : memref<!tpu.dma_semaphore, #tpu.memory_space<semaphore_mem>>) src(%dma_wait3A_63 : memref<8192x256xf32, #tpu.memory_space<hbm>>) dst(%arg6 : memref<128x256xf32, #tpu.memory_space<vmem>>)
    %add3A_64 = arith.constant 512 : i32
    %add3A_65 = arith.addi %mul3A_2, %add3A_64 : i32
    "tpu.region"() ({
      %run_scoped3A = tpu.sem_alloc : memref<!tpu.dma_semaphore, #tpu.memory_space<semaphore_mem>>
      %dma_start3A_97 = arith.constant 0 : i32
      %dma_start3A_98 = tpu.memref_slice %arg4[%add3A_65, %dma_start3A_97] : memref<32768x256xf32, #tpu.memory_space<hbm>> -> memref<128x256xf32, #tpu.memory_space<hbm>>
      %dma_start3A_99 = arith.constant 0 : i32
      %dma_start3A_100 = tpu.memref_slice %arg4[%add3A_65, %dma_start3A_99] : memref<32768x256xf32, #tpu.memory_space<hbm>> -> memref<128x256xf32, #tpu.memory_space<hbm>>
      tpu.enqueue_dma source(%arg6 : memref<128x256xf32, #tpu.memory_space<vmem>>) target(%dma_start3A_100 : memref<128x256xf32, #tpu.memory_space<hbm>>) target_semaphore(%run_scoped3A : memref<!tpu.dma_semaphore, #tpu.memory_space<semaphore_mem>>)
      %dma_wait3A_101 = arith.constant 0 : i32
      %dma_wait3A_102 = tpu.memref_slice %arg4[%add3A_65, %dma_wait3A_101] : memref<32768x256xf32, #tpu.memory_space<hbm>> -> memref<128x256xf32, #tpu.memory_space<hbm>>
      %dma_wait3A_103 = arith.constant 0 : i32
      %dma_wait3A_104 = tpu.memref_slice %arg4[%add3A_65, %dma_wait3A_103] : memref<32768x256xf32, #tpu.memory_space<hbm>> -> memref<128x256xf32, #tpu.memory_space<hbm>>
      tpu.wait_dma2 semaphore(%run_scoped3A : memref<!tpu.dma_semaphore, #tpu.memory_space<semaphore_mem>>) src(%arg6 : memref<128x256xf32, #tpu.memory_space<vmem>>) dst(%dma_wait3A_104 : memref<128x256xf32, #tpu.memory_space<hbm>>)
      tpu.yield
    }) : () -> ()
    %dma_start3A_66 = arith.constant 768 : i32
    %dma_start3A_67 = tpu.memref_slice %arg5[%dma_start3A_66] : memref<1024xi32, #tpu.memory_space<vmem>> -> memref<128xi32, #tpu.memory_space<vmem>>
    %dma_start3A_68 = arith.constant 0 : i32
    %dma_start3A_69 = arith.constant 0 : i32
    %dma_start3A_70 = tpu.memref_slice %arg2[%dma_start3A_68, %dma_start3A_69] : memref<8192x256xf32, #tpu.memory_space<hbm>> -> memref<8192x256xf32, #tpu.memory_space<hbm>>
    tpu.enqueue_indirect_dma source(%dma_start3A_70 : memref<8192x256xf32, #tpu.memory_space<hbm>>) target(%arg6 : memref<128x256xf32, #tpu.memory_space<vmem>>) offsets(%dma_start3A_67 : memref<128xi32, #tpu.memory_space<vmem>>) semaphore(%arg8 : memref<!tpu.dma_semaphore, #tpu.memory_space<semaphore_mem>>)
    %dma_wait3A_71 = arith.constant 640 : i32
    %dma_wait3A_72 = tpu.memref_slice %arg5[%dma_wait3A_71] : memref<1024xi32, #tpu.memory_space<vmem>> -> memref<128xi32, #tpu.memory_space<vmem>>
    %dma_wait3A_73 = arith.constant 0 : i32
    %dma_wait3A_74 = arith.constant 0 : i32
    %dma_wait3A_75 = tpu.memref_slice %arg2[%dma_wait3A_73, %dma_wait3A_74] : memref<8192x256xf32, #tpu.memory_space<hbm>> -> memref<8192x256xf32, #tpu.memory_space<hbm>>
    tpu.wait_indirect_dma semaphore(%arg9 : memref<!tpu.dma_semaphore, #tpu.memory_space<semaphore_mem>>) src(%dma_wait3A_75 : memref<8192x256xf32, #tpu.memory_space<hbm>>) dst(%arg7 : memref<128x256xf32, #tpu.memory_space<vmem>>)
    %add3A_76 = arith.constant 640 : i32
    %add3A_77 = arith.addi %mul3A_2, %add3A_76 : i32
    "tpu.region"() ({
      %run_scoped3A = tpu.sem_alloc : memref<!tpu.dma_semaphore, #tpu.memory_space<semaphore_mem>>
      %dma_start3A_97 = arith.constant 0 : i32
      %dma_start3A_98 = tpu.memref_slice %arg4[%add3A_77, %dma_start3A_97] : memref<32768x256xf32, #tpu.memory_space<hbm>> -> memref<128x256xf32, #tpu.memory_space<hbm>>
      %dma_start3A_99 = arith.constant 0 : i32
      %dma_start3A_100 = tpu.memref_slice %arg4[%add3A_77, %dma_start3A_99] : memref<32768x256xf32, #tpu.memory_space<hbm>> -> memref<128x256xf32, #tpu.memory_space<hbm>>
      tpu.enqueue_dma source(%arg7 : memref<128x256xf32, #tpu.memory_space<vmem>>) target(%dma_start3A_100 : memref<128x256xf32, #tpu.memory_space<hbm>>) target_semaphore(%run_scoped3A : memref<!tpu.dma_semaphore, #tpu.memory_space<semaphore_mem>>)
      %dma_wait3A_101 = arith.constant 0 : i32
      %dma_wait3A_102 = tpu.memref_slice %arg4[%add3A_77, %dma_wait3A_101] : memref<32768x256xf32, #tpu.memory_space<hbm>> -> memref<128x256xf32, #tpu.memory_space<hbm>>
      %dma_wait3A_103 = arith.constant 0 : i32
      %dma_wait3A_104 = tpu.memref_slice %arg4[%add3A_77, %dma_wait3A_103] : memref<32768x256xf32, #tpu.memory_space<hbm>> -> memref<128x256xf32, #tpu.memory_space<hbm>>
      tpu.wait_dma2 semaphore(%run_scoped3A : memref<!tpu.dma_semaphore, #tpu.memory_space<semaphore_mem>>) src(%arg7 : memref<128x256xf32, #tpu.memory_space<vmem>>) dst(%dma_wait3A_104 : memref<128x256xf32, #tpu.memory_space<hbm>>)
      tpu.yield
    }) : () -> ()
    %dma_start3A_78 = arith.constant 896 : i32
    %dma_start3A_79 = tpu.memref_slice %arg5[%dma_start3A_78] : memref<1024xi32, #tpu.memory_space<vmem>> -> memref<128xi32, #tpu.memory_space<vmem>>
    %dma_start3A_80 = arith.constant 0 : i32
    %dma_start3A_81 = arith.constant 0 : i32
    %dma_start3A_82 = tpu.memref_slice %arg2[%dma_start3A_80, %dma_start3A_81] : memref<8192x256xf32, #tpu.memory_space<hbm>> -> memref<8192x256xf32, #tpu.memory_space<hbm>>
    tpu.enqueue_indirect_dma source(%dma_start3A_82 : memref<8192x256xf32, #tpu.memory_space<hbm>>) target(%arg7 : memref<128x256xf32, #tpu.memory_space<vmem>>) offsets(%dma_start3A_79 : memref<128xi32, #tpu.memory_space<vmem>>) semaphore(%arg9 : memref<!tpu.dma_semaphore, #tpu.memory_space<semaphore_mem>>)
    %dma_wait3A_83 = arith.constant 768 : i32
    %dma_wait3A_84 = tpu.memref_slice %arg5[%dma_wait3A_83] : memref<1024xi32, #tpu.memory_space<vmem>> -> memref<128xi32, #tpu.memory_space<vmem>>
    %dma_wait3A_85 = arith.constant 0 : i32
    %dma_wait3A_86 = arith.constant 0 : i32
    %dma_wait3A_87 = tpu.memref_slice %arg2[%dma_wait3A_85, %dma_wait3A_86] : memref<8192x256xf32, #tpu.memory_space<hbm>> -> memref<8192x256xf32, #tpu.memory_space<hbm>>
    tpu.wait_indirect_dma semaphore(%arg8 : memref<!tpu.dma_semaphore, #tpu.memory_space<semaphore_mem>>) src(%dma_wait3A_87 : memref<8192x256xf32, #tpu.memory_space<hbm>>) dst(%arg6 : memref<128x256xf32, #tpu.memory_space<vmem>>)
    %add3A_88 = arith.constant 768 : i32
    %add3A_89 = arith.addi %mul3A_2, %add3A_88 : i32
    "tpu.region"() ({
      %run_scoped3A = tpu.sem_alloc : memref<!tpu.dma_semaphore, #tpu.memory_space<semaphore_mem>>
      %dma_start3A_97 = arith.constant 0 : i32
      %dma_start3A_98 = tpu.memref_slice %arg4[%add3A_89, %dma_start3A_97] : memref<32768x256xf32, #tpu.memory_space<hbm>> -> memref<128x256xf32, #tpu.memory_space<hbm>>
      %dma_start3A_99 = arith.constant 0 : i32
      %dma_start3A_100 = tpu.memref_slice %arg4[%add3A_89, %dma_start3A_99] : memref<32768x256xf32, #tpu.memory_space<hbm>> -> memref<128x256xf32, #tpu.memory_space<hbm>>
      tpu.enqueue_dma source(%arg6 : memref<128x256xf32, #tpu.memory_space<vmem>>) target(%dma_start3A_100 : memref<128x256xf32, #tpu.memory_space<hbm>>) target_semaphore(%run_scoped3A : memref<!tpu.dma_semaphore, #tpu.memory_space<semaphore_mem>>)
      %dma_wait3A_101 = arith.constant 0 : i32
      %dma_wait3A_102 = tpu.memref_slice %arg4[%add3A_89, %dma_wait3A_101] : memref<32768x256xf32, #tpu.memory_space<hbm>> -> memref<128x256xf32, #tpu.memory_space<hbm>>
      %dma_wait3A_103 = arith.constant 0 : i32
      %dma_wait3A_104 = tpu.memref_slice %arg4[%add3A_89, %dma_wait3A_103] : memref<32768x256xf32, #tpu.memory_space<hbm>> -> memref<128x256xf32, #tpu.memory_space<hbm>>
      tpu.wait_dma2 semaphore(%run_scoped3A : memref<!tpu.dma_semaphore, #tpu.memory_space<semaphore_mem>>) src(%arg6 : memref<128x256xf32, #tpu.memory_space<vmem>>) dst(%dma_wait3A_104 : memref<128x256xf32, #tpu.memory_space<hbm>>)
      tpu.yield
    }) : () -> ()
    %dma_wait3A_90 = arith.constant 896 : i32
    %dma_wait3A_91 = tpu.memref_slice %arg5[%dma_wait3A_90] : memref<1024xi32, #tpu.memory_space<vmem>> -> memref<128xi32, #tpu.memory_space<vmem>>
    %dma_wait3A_92 = arith.constant 0 : i32
    %dma_wait3A_93 = arith.constant 0 : i32
    %dma_wait3A_94 = tpu.memref_slice %arg2[%dma_wait3A_92, %dma_wait3A_93] : memref<8192x256xf32, #tpu.memory_space<hbm>> -> memref<8192x256xf32, #tpu.memory_space<hbm>>
    tpu.wait_indirect_dma semaphore(%arg9 : memref<!tpu.dma_semaphore, #tpu.memory_space<semaphore_mem>>) src(%dma_wait3A_94 : memref<8192x256xf32, #tpu.memory_space<hbm>>) dst(%arg7 : memref<128x256xf32, #tpu.memory_space<vmem>>)
    %add3A_95 = arith.constant 896 : i32
    %add3A_96 = arith.addi %mul3A_2, %add3A_95 : i32
    "tpu.region"() ({
      %run_scoped3A = tpu.sem_alloc : memref<!tpu.dma_semaphore, #tpu.memory_space<semaphore_mem>>
      %dma_start3A_97 = arith.constant 0 : i32
      %dma_start3A_98 = tpu.memref_slice %arg4[%add3A_96, %dma_start3A_97] : memref<32768x256xf32, #tpu.memory_space<hbm>> -> memref<128x256xf32, #tpu.memory_space<hbm>>
      %dma_start3A_99 = arith.constant 0 : i32
      %dma_start3A_100 = tpu.memref_slice %arg4[%add3A_96, %dma_start3A_99] : memref<32768x256xf32, #tpu.memory_space<hbm>> -> memref<128x256xf32, #tpu.memory_space<hbm>>
      tpu.enqueue_dma source(%arg7 : memref<128x256xf32, #tpu.memory_space<vmem>>) target(%dma_start3A_100 : memref<128x256xf32, #tpu.memory_space<hbm>>) target_semaphore(%run_scoped3A : memref<!tpu.dma_semaphore, #tpu.memory_space<semaphore_mem>>)
      %dma_wait3A_101 = arith.constant 0 : i32
      %dma_wait3A_102 = tpu.memref_slice %arg4[%add3A_96, %dma_wait3A_101] : memref<32768x256xf32, #tpu.memory_space<hbm>> -> memref<128x256xf32, #tpu.memory_space<hbm>>
      %dma_wait3A_103 = arith.constant 0 : i32
      %dma_wait3A_104 = tpu.memref_slice %arg4[%add3A_96, %dma_wait3A_103] : memref<32768x256xf32, #tpu.memory_space<hbm>> -> memref<128x256xf32, #tpu.memory_space<hbm>>
      tpu.wait_dma2 semaphore(%run_scoped3A : memref<!tpu.dma_semaphore, #tpu.memory_space<semaphore_mem>>) src(%arg7 : memref<128x256xf32, #tpu.memory_space<vmem>>) dst(%dma_wait3A_104 : memref<128x256xf32, #tpu.memory_space<hbm>>)
      tpu.yield
    }) : () -> ()
    return
  }
}

module attributes {stable_mosaic.version = 14 : i64} {
  func.func @_argmin_body(%arg0: i32, %arg1: memref<512x256xf32, #tpu.memory_space<vmem>>, %arg2: memref<256x8192xf32, #tpu.memory_space<vmem>>, %arg3: memref<512x1xf32, #tpu.memory_space<vmem>>, %arg4: memref<1x8192xf32, #tpu.memory_space<vmem>>, %arg5: memref<1x8192xf32, #tpu.memory_space<vmem>>, %arg6: memref<512xi32, #tpu.memory_space<vmem>>) attributes {dimension_semantics = [#tpu.dimension_semantics<arbitrary>], iteration_bounds = array<i64: 64>, scalar_prefetch = 0 : i64, scratch_operands = 0 : i64, tpu.core_type = #tpu.core_type<tc>, window_params = [{transform_indices = @transform_0, window_bounds = array<i64: 512, 256>}, {pipeline_mode = #tpu.pipeline_mode<synchronous>, transform_indices = @transform_1, window_bounds = array<i64: 256, 8192>}, {transform_indices = @transform_2, window_bounds = array<i64: 512, 1>}, {pipeline_mode = #tpu.pipeline_mode<synchronous>, transform_indices = @transform_3, window_bounds = array<i64: 1, 8192>}, {pipeline_mode = #tpu.pipeline_mode<synchronous>, transform_indices = @transform_4, window_bounds = array<i64: 1, 8192>}, {transform_indices = @transform_5, window_bounds = array<i64: 512>}]} {
    %get3A = arith.constant 0 : index
    %get3A_0 = arith.constant 0 : index
    %get3A_1 = vector.load %arg1[%get3A, %get3A_0] : memref<512x256xf32, #tpu.memory_space<vmem>>, vector<512x256xf32>
    %get3A_2 = arith.constant 0 : index
    %get3A_3 = arith.constant 0 : index
    %get3A_4 = vector.load %arg2[%get3A_2, %get3A_3] : memref<256x8192xf32, #tpu.memory_space<vmem>>, vector<256x8192xf32>
    %get3A_5 = arith.constant 0 : index
    %get3A_6 = arith.constant 0 : index
    %get3A_7 = vector.load %arg3[%get3A_5, %get3A_6] : memref<512x1xf32, #tpu.memory_space<vmem>>, vector<512x1xf32>
    %get3A_8 = arith.constant 0 : index
    %get3A_9 = arith.constant 0 : index
    %get3A_10 = vector.load %arg4[%get3A_8, %get3A_9] : memref<1x8192xf32, #tpu.memory_space<vmem>>, vector<1x8192xf32>
    %get3A_11 = arith.constant 0 : index
    %get3A_12 = arith.constant 0 : index
    %get3A_13 = vector.load %arg5[%get3A_11, %get3A_12] : memref<1x8192xf32, #tpu.memory_space<vmem>>, vector<1x8192xf32>
    %dot_general3A = arith.constant dense<0.000000e+00> : vector<512x8192xf32>
    %dot_general3A_14 = tpu.matmul %get3A_1, %get3A_4, %dot_general3A {dimension_numbers = #tpu.dot_dimension_numbers<[1], [0], [0], [1], [0, 0, 1, 1], [], []>, transpose_lhs_hint = false} : vector<512x256xf32>, vector<256x8192xf32>, vector<512x8192xf32> -> vector<512x8192xf32>
    %add3A = vector.broadcast %get3A_7 : vector<512x1xf32> to vector<512x8192xf32>
    %add3A_15 = vector.broadcast %get3A_10 : vector<1x8192xf32> to vector<512x8192xf32>
    %add3A_16 = arith.addf %add3A, %add3A_15 : vector<512x8192xf32>
    %mul3A = arith.constant 2.000000e+00 : f32
    %mul3A_17 = vector.broadcast %mul3A : f32 to vector<512x8192xf32>
    %mul3A_18 = arith.mulf %dot_general3A_14, %mul3A_17 : vector<512x8192xf32>
    %sub3A = arith.subf %add3A_16, %mul3A_18 : vector<512x8192xf32>
    %broadcast_in_dim3A = arith.constant 0x7F800000 : f32
    %broadcast_in_dim3A_19 = vector.broadcast %broadcast_in_dim3A : f32 to vector<512xf32>
    %broadcast_in_dim3A_20 = arith.constant 0x7F800000 : f32
    %broadcast_in_dim3A_21 = vector.broadcast %broadcast_in_dim3A_20 : f32 to vector<512xf32>
    %slice3A = vector.extract_strided_slice %sub3A {offsets = [0, 0], sizes = [512, 2816], strides = [1, 1]} : vector<512x8192xf32> to vector<512x2816xf32>
    %reduce_min3A = arith.constant dense<0x7F800000> : vector<512xf32>
    %reduce_min3A_22 = vector.multi_reduction <minimumf>, %slice3A, %reduce_min3A [1] : vector<512x2816xf32> to vector<512xf32>
    %slice3A_23 = vector.extract_strided_slice %get3A_13 {offsets = [0, 0], sizes = [1, 2816], strides = [1, 1]} : vector<1x8192xf32> to vector<1x2816xf32>
    %broadcast_in_dim3A_24 = vector.shape_cast %slice3A_23 : vector<1x2816xf32> to vector<1x2816xf32>
    %broadcast_in_dim3A_25 = vector.broadcast %broadcast_in_dim3A_24 : vector<1x2816xf32> to vector<512x2816xf32>
    %broadcast_in_dim3A_26 = vector.shape_cast %reduce_min3A_22 : vector<512xf32> to vector<512x1xf32>
    %le3A = vector.broadcast %broadcast_in_dim3A_26 : vector<512x1xf32> to vector<512x2816xf32>
    %le3A_27 = arith.cmpf ole, %slice3A, %le3A : vector<512x2816xf32>
    %jit3A = arith.constant 0x7F800000 : f32
    %broadcast_in_dim3A_28 = vector.broadcast %jit3A : f32 to vector<512x2816xf32>
    %select_n3A = arith.select %le3A_27, %broadcast_in_dim3A_25, %broadcast_in_dim3A_28 : vector<512x2816xi1>, vector<512x2816xf32>
    %reduce_min3A_29 = arith.constant dense<0x7F800000> : vector<512xf32>
    %reduce_min3A_30 = vector.multi_reduction <minimumf>, %select_n3A, %reduce_min3A_29 [1] : vector<512x2816xf32> to vector<512xf32>
    %lt3A = arith.cmpf olt, %reduce_min3A_22, %broadcast_in_dim3A_19 : vector<512xf32>
    %convert_element_type3A = arith.truncf %reduce_min3A_22 : vector<512xf32> to vector<512xbf16>
    %convert_element_type3A_31 = arith.extf %convert_element_type3A : vector<512xbf16> to vector<512xf32>
    %select_n3A_32 = arith.select %lt3A, %convert_element_type3A_31, %broadcast_in_dim3A_19 : vector<512xi1>, vector<512xf32>
    %select_n3A_33 = arith.select %lt3A, %reduce_min3A_30, %broadcast_in_dim3A_21 : vector<512xi1>, vector<512xf32>
    %slice3A_34 = vector.extract_strided_slice %sub3A {offsets = [0, 2816], sizes = [512, 2816], strides = [1, 1]} : vector<512x8192xf32> to vector<512x2816xf32>
    %reduce_min3A_35 = arith.constant dense<0x7F800000> : vector<512xf32>
    %reduce_min3A_36 = vector.multi_reduction <minimumf>, %slice3A_34, %reduce_min3A_35 [1] : vector<512x2816xf32> to vector<512xf32>
    %slice3A_37 = vector.extract_strided_slice %get3A_13 {offsets = [0, 2816], sizes = [1, 2816], strides = [1, 1]} : vector<1x8192xf32> to vector<1x2816xf32>
    %broadcast_in_dim3A_38 = vector.shape_cast %slice3A_37 : vector<1x2816xf32> to vector<1x2816xf32>
    %broadcast_in_dim3A_39 = vector.broadcast %broadcast_in_dim3A_38 : vector<1x2816xf32> to vector<512x2816xf32>
    %broadcast_in_dim3A_40 = vector.shape_cast %reduce_min3A_36 : vector<512xf32> to vector<512x1xf32>
    %le3A_41 = vector.broadcast %broadcast_in_dim3A_40 : vector<512x1xf32> to vector<512x2816xf32>
    %le3A_42 = arith.cmpf ole, %slice3A_34, %le3A_41 : vector<512x2816xf32>
    %jit3A_43 = arith.constant 0x7F800000 : f32
    %broadcast_in_dim3A_44 = vector.broadcast %jit3A_43 : f32 to vector<512x2816xf32>
    %select_n3A_45 = arith.select %le3A_42, %broadcast_in_dim3A_39, %broadcast_in_dim3A_44 : vector<512x2816xi1>, vector<512x2816xf32>
    %reduce_min3A_46 = arith.constant dense<0x7F800000> : vector<512xf32>
    %reduce_min3A_47 = vector.multi_reduction <minimumf>, %select_n3A_45, %reduce_min3A_46 [1] : vector<512x2816xf32> to vector<512xf32>
    %lt3A_48 = arith.cmpf olt, %reduce_min3A_36, %select_n3A_32 : vector<512xf32>
    %convert_element_type3A_49 = arith.truncf %reduce_min3A_36 : vector<512xf32> to vector<512xbf16>
    %convert_element_type3A_50 = arith.extf %convert_element_type3A_49 : vector<512xbf16> to vector<512xf32>
    %select_n3A_51 = arith.select %lt3A_48, %convert_element_type3A_50, %select_n3A_32 : vector<512xi1>, vector<512xf32>
    %select_n3A_52 = arith.select %lt3A_48, %reduce_min3A_47, %select_n3A_33 : vector<512xi1>, vector<512xf32>
    %slice3A_53 = vector.extract_strided_slice %sub3A {offsets = [0, 5632], sizes = [512, 2560], strides = [1, 1]} : vector<512x8192xf32> to vector<512x2560xf32>
    %reduce_min3A_54 = arith.constant dense<0x7F800000> : vector<512xf32>
    %reduce_min3A_55 = vector.multi_reduction <minimumf>, %slice3A_53, %reduce_min3A_54 [1] : vector<512x2560xf32> to vector<512xf32>
    %slice3A_56 = vector.extract_strided_slice %get3A_13 {offsets = [0, 5632], sizes = [1, 2560], strides = [1, 1]} : vector<1x8192xf32> to vector<1x2560xf32>
    %broadcast_in_dim3A_57 = vector.shape_cast %slice3A_56 : vector<1x2560xf32> to vector<1x2560xf32>
    %broadcast_in_dim3A_58 = vector.broadcast %broadcast_in_dim3A_57 : vector<1x2560xf32> to vector<512x2560xf32>
    %broadcast_in_dim3A_59 = vector.shape_cast %reduce_min3A_55 : vector<512xf32> to vector<512x1xf32>
    %le3A_60 = vector.broadcast %broadcast_in_dim3A_59 : vector<512x1xf32> to vector<512x2560xf32>
    %le3A_61 = arith.cmpf ole, %slice3A_53, %le3A_60 : vector<512x2560xf32>
    %jit3A_62 = arith.constant 0x7F800000 : f32
    %broadcast_in_dim3A_63 = vector.broadcast %jit3A_62 : f32 to vector<512x2560xf32>
    %select_n3A_64 = arith.select %le3A_61, %broadcast_in_dim3A_58, %broadcast_in_dim3A_63 : vector<512x2560xi1>, vector<512x2560xf32>
    %reduce_min3A_65 = arith.constant dense<0x7F800000> : vector<512xf32>
    %reduce_min3A_66 = vector.multi_reduction <minimumf>, %select_n3A_64, %reduce_min3A_65 [1] : vector<512x2560xf32> to vector<512xf32>
    %lt3A_67 = arith.cmpf olt, %reduce_min3A_55, %select_n3A_51 : vector<512xf32>
    %select_n3A_68 = arith.select %lt3A_67, %reduce_min3A_66, %select_n3A_52 : vector<512xi1>, vector<512xf32>
    %convert_element_type3A_69 = arith.fptosi %select_n3A_68 : vector<512xf32> to vector<512xi32>
    %swap3A = arith.constant 0 : index
    %swap3A_70 = vector.load %arg6[%swap3A] : memref<512xi32, #tpu.memory_space<vmem>>, vector<512xi32>
    tpu.vector_store %arg6[%swap3A], %convert_element_type3A_69 {strides = array<i32>} : memref<512xi32, #tpu.memory_space<vmem>>, vector<512xi32>,
    return
  }
  func.func @transform_0(%arg0: i32) -> (i32, i32) {
    %c0_i32 = arith.constant 0 : i32
    %c0_i32_0 = arith.constant 0 : i32
    return %arg0, %c0_i32 : i32, i32
  }
  func.func @transform_1(%arg0: i32) -> (i32, i32) {
    %c0_i32 = arith.constant 0 : i32
    %c0_i32_0 = arith.constant 0 : i32
    %c0_i32_1 = arith.constant 0 : i32
    return %c0_i32, %c0_i32_0 : i32, i32
  }
  func.func @transform_2(%arg0: i32) -> (i32, i32) {
    %c0_i32 = arith.constant 0 : i32
    %c0_i32_0 = arith.constant 0 : i32
    return %arg0, %c0_i32 : i32, i32
  }
  func.func @transform_3(%arg0: i32) -> (i32, i32) {
    %c0_i32 = arith.constant 0 : i32
    %c0_i32_0 = arith.constant 0 : i32
    %c0_i32_1 = arith.constant 0 : i32
    return %c0_i32, %c0_i32_0 : i32, i32
  }
  func.func @transform_4(%arg0: i32) -> (i32, i32) {
    %c0_i32 = arith.constant 0 : i32
    %c0_i32_0 = arith.constant 0 : i32
    %c0_i32_1 = arith.constant 0 : i32
    return %c0_i32, %c0_i32_0 : i32, i32
  }
  func.func @transform_5(%arg0: i32) -> i32 {
    %c0_i32 = arith.constant 0 : i32
    return %arg0 : i32
  }
}

</mosaic_0001>

<sc_bundles>
// kernel: kernel.4.cloned.1.call-start
scs
__scs_entry_jumppad:
0x0: {  	(pc) =	sbr.rel $0x88, $3  }
0x1: {  	(tag) =	ssettag $0x0;
	lr =	simm.s32 $0x1  }
0x2: {  	[smem:$0x3F9F] =	sst lr;
	_ =	strace $0xD0000000  }
0x3: {  	_ = 	snop  }
0x4: {  	_ = 	snop  }
0x5: {  	_ = 	snop  }
0x6: {  	_ = 	snop  }
0x7: {  	_ = 	snop  }
__scs_overlays_trampoline_lowered:
0x8: {  	[smem:$0x3FAE] =	sst s0  }
0x9: {  	[smem:$0x3FAF] =	sst s1  }
0xa: {  	[smem:$0x3FB0] =	sst s2  }
0xb: {  	[smem:$0x3FB1] =	sst s3  }
0xc: {  	[smem:$0x3FB2] =	sst s4  }
0xd: {  	[smem:$0x3FB3] =	sst s5  }
0xe: {  	[smem:$0x3FB4] =	sst s6  }
0xf: {  	[smem:$0x3FB5] =	sst s7  }
0x10: {  	[smem:$0x3FB6] =	sst s8  }
0x11: {  	[smem:$0x3FB7] =	sst s9;
	s0 =	simm.s32 @!p0 $0x0  }
0x12: {  	s1 =	sld [smem:$0x3F9D];
	s0 =	simm.s32 @p0 $0x1  }
0x13: {  	[smem:$0x3FB8] =	sst s0;
	s0 =	simm.s32 @!p1 $0x0  }
0x14: {  	s2 =	sld [smem:$0x3F9C];
	s0 =	simm.s32 @p1 $0x1  }
0x15: {  	[smem:$0x3FB9] =	sst s0;
	s0 =	simm.s32 @!p2 $0x0  }
0x16: {  	s3 =	sld [smem:$0x3FDB];
	s0 =	simm.s32 @p2 $0x1  }
0x17: {  	s4 =	simm.s32 $0x1BF5;
	[smem:$0x3FBB] =	sst s0  }
0x18: {  	s0 =	sld [smem:$0x3F9E];
	_ =	swait.ge [sflag:s4], $0x0  }
0x19: {  	s7 =	sld [smem:$0x3F9F]  }
0x1a: {  	s8 =	sadd.s32 $0xFFFFE003, lr  }
0x1b: {  	s9 =	sadd.s32 $0xFFFFFEF7, lr;
	s5 =	simm.s32 $0xFFFFFFFF;
	p2 =	slt.u32 s8, $0xFFFFF086  }
0x1c: {  	p1 =	slt.u32 s9, $0xF7A;
	s5 =	simm.s32 @!p2 $0x0  }
0x1d: {  	s5 =	simm.s32 @p1 $0x1;
	p0 =	seq.s32 s7, s2  }
0x1e: {  	s7 =	smul.u32 @!p0 $0xF7A, s2;
	p2 =	seq.s32 @!p0 s5, $0x0  }
0x1f: {  	s9 =	smul.u32 $0xF7A, s1;
	s8 =	simm.s32 @!p0 $0x1BF5;
	p2 =	por !p2, p0  }
0x20: {  	[sflag:s8] =	ssyncset.s32 @!p0 $0xFFFFF086;
	s6 =	sadd.s32 @!p0 s3, s7;
	s7 =	simm.s32 @!p0 $0x108  }
0x21: {  	s3 =	sadd.s32 s3, s9;
	s6 =	sadd.s32 @!p0 $0x88, s6;
	s7 =	simm.s32 @p2 $0x1082  }
0x22: {  	[simem:s7], [sflag:s8] =	dma.local @!p0 [hbm:s6], $0xF7A  }
0x23: {  	s9 =	sor.u32 $0xD0000000, s2;
	s6 =	simm.s32 $0x108;
	_ =	swait.ge @!p0 [sflag:s8], $0x0  }
0x24: {  	s3 =	sadd.s32 $0x88, s3;
	s6 =	simm.s32 @!p1 $0x1082;
	[sflag:s4] =	ssyncset.s32 $0xFFFFF086  }
0x25: {  	[simem:s6], [sflag:s4] =	dma.local [hbm:s3], $0xF7A  }
0x26: {  	[smem:$0x3F9F] =	sst s1;
	(tag) =	ssettag s2;
	_ =	strace s9  }
0x27: {  	s1 =	sld [smem:$0x3FAF]  }
0x28: {  	s2 =	sld [smem:$0x3FB0]  }
0x29: {  	s4 =	sld [smem:$0x3FB2]  }
0x2a: {  	p0 =	seq.s32 s5, $0x0;
	s5 =	sld [smem:$0x3FB3]  }
0x2b: {  	s6 =	sld [smem:$0x3FB4]  }
0x2c: {  	s7 =	sld [smem:$0x3FB5]  }
0x2d: {  	s3 =	simm.s32 $0x108;
	s8 =	sld [smem:$0x3FB6]  }
0x2e: {  	s3 =	simm.s32 @!p0 $0x1082;
	s9 =	sld [smem:$0x3FB7]  }
0x2f: {  	lr =	sadd.s32 s0, s3;
	s0 =	sld [smem:$0x3FAE]  }
0x30: {  	s3 =	sld [smem:$0x3FB1]  }
0x31: {  	[smem:$0x3FBA] =	sst s10  }
0x32: {  	s10 =	sld [smem:$0x3FB8];
	_ =	sdelay $0x3  }
0x33: {  	p0 =	seq.s32 s10, $0x1;
	s10 =	sld [smem:$0x3FBA];
	_ =	sdelay $0x3  }
0x34: {  	[smem:$0x3FBA] =	sst s10  }
0x35: {  	s10 =	sld [smem:$0x3FB9];
	_ =	sdelay $0x3  }
0x36: {  	p1 =	seq.s32 s10, $0x1;
	s10 =	sld [smem:$0x3FBA];
	_ =	sdelay $0x3  }
0x37: {  	[smem:$0x3FBA] =	sst s10  }
0x38: {  	s10 =	sld [smem:$0x3FBB]  }
0x39: {  	_ = 	snop;
	(pc) =	sbr.ind lr, $3  }
0x3a: {  	_ = 	snop  }
0x3b: {  	_ = 	snop  }
0x3c: {  	p2 =	seq.s32 s10, $0x1;
	s10 =	sld [smem:$0x3FBA]  }
0x3d: {  	_ =	shalt  }
0x3e: {  	_ =	shalt  }
0x3f: {  	_ =	shalt  }
0x40: {  	_ =	shalt  }
0x41: {  	_ =	shalt  }
0x42: {  	_ =	shalt  }
0x43: {  	_ =	shalt  }
0x44: {  	_ =	shalt  }
0x45: {  	_ =	shalt  }
0x46: {  	_ =	shalt  }
0x47: {  	_ =	shalt  }
0x48: {  	_ =	shalt  }
0x49: {  	_ =	shalt  }
0x4a: {  	_ =	shalt  }
0x4b: {  	_ =	shalt  }
0x4c: {  	_ =	shalt  }
0x4d: {  	_ =	shalt  }
0x4e: {  	_ =	shalt  }
0x4f: {  	_ =	shalt  }
0x50: {  	_ =	shalt  }
0x51: {  	_ =	shalt  }
0x52: {  	_ =	shalt  }
0x53: {  	_ =	shalt  }
0x54: {  	_ =	shalt  }
0x55: {  	_ =	shalt  }
0x56: {  	_ =	shalt  }
0x57: {  	_ =	shalt  }
0x58: {  	_ =	shalt  }
0x59: {  	_ =	shalt  }
0x5a: {  	_ =	shalt  }
0x5b: {  	_ =	shalt  }
0x5c: {  	_ =	shalt  }
0x5d: {  	_ =	shalt  }
0x5e: {  	_ =	shalt  }
0x5f: {  	_ =	shalt  }
0x60: {  	_ =	shalt  }
0x61: {  	_ =	shalt  }
0x62: {  	_ =	shalt  }
0x63: {  	_ =	shalt  }
0x64: {  	_ =	shalt  }
0x65: {  	_ =	shalt  }
0x66: {  	_ =	shalt  }
0x67: {  	_ =	shalt  }
0x68: {  	_ =	shalt  }
0x69: {  	_ =	shalt  }
0x6a: {  	_ =	shalt  }
0x6b: {  	_ =	shalt  }
0x6c: {  	_ =	shalt  }
0x6d: {  	_ =	shalt  }
0x6e: {  	_ =	shalt  }
0x6f: {  	_ =	shalt  }
0x70: {  	_ =	shalt  }
0x71: {  	_ =	shalt  }
0x72: {  	_ =	shalt  }
0x73: {  	_ =	shalt  }
0x74: {  	_ =	shalt  }
0x75: {  	_ =	shalt  }
0x76: {  	_ =	shalt  }
0x77: {  	_ =	shalt  }
0x78: {  	_ =	shalt  }
0x79: {  	_ =	shalt  }
0x7a: {  	_ =	shalt  }
0x7b: {  	_ =	shalt  }
0x7c: {  	_ =	shalt  }
0x7d: {  	_ =	shalt  }
0x7e: {  	_ =	shalt  }
0x7f: {  	_ =	shalt  }
0x80: {  	_ =	shalt  }
0x81: {  	_ =	shalt  }
0x82: {  	_ =	shalt  }
0x83: {  	_ =	shalt  }
0x84: {  	_ =	shalt  }
0x85: {  	_ =	shalt  }
0x86: {  	_ =	shalt  }
0x87: {  	_ =	shalt  }
.Lfunc_end0:
.L_simem_size_0:
called_computation_lowered:
.L_overlay_start_0:
0x88: {  	s2 =	sld [smem:$0x3FD9]  }
0x89: {  	s3 =	sld [smem:$0x3FFE];
	_ =	sdelay $0x1  }
0x8a: {  	s1 =	srdreg.scid  }
0x8b: {  	s0 =	sand.u32 $0x1, s1  }
0x8c: {  	s17 =	sshll.u32 s0, $0xA;
	s2 =	sadd.s32 s3, s2  }
0x8d: {  	s2 =	sadd.s32 s2, s17  }
0x8e: {  	[smem:$0x3FC6] =	sst s2  }
0x8f: {  	_ = 	snop  }
0x90: {  	s2 =	sld [smem:$0x3FD0];
	(tm) =	ssettm $0x1  }
0x91: {  	s18 =	sld [smem:$0x3FFB];
	_ =	sdelay $0x3  }
0x92: {  	_ =	strace s18  }
0x93: {  	s3 =	sld [smem:$0x3FFC];
	_ =	sdelay $0x3  }
0x94: {  	_ =	strace s3  }
0x95: {  	s3 =	sld [smem:$0x3FFD];
	_ =	sdelay $0x3  }
0x96: {  	_ =	strace s3  }
0x97: {  	_ =	strace $0x8FFFFFFF  }
0x98: {  	s19 =	sld [smem:$0x3FDB];
	_ =	sdelay $0x1  }
0x99: {  	s4 =	simm.s32 $_scs_section_size  }
0x9a: {  	s5 =	simm.s32 $_size__tile_overlayer_lowered;
	s6 =	simm.s32 $_tile_overlayer_lowered  }
0x9b: {  	s22 =	simm.s32 $0x1BFF;
	s21 =	sshll.u32 s6, $0x1;
	s3 =	sadd.s32 s4, s19  }
0x9c: {  	s7 =	simm.s32 $0x0;
	s20 =	sshll.u32 s5, $0x1;
	s5 =	sadd.s32 s21, s3  }
0x9d: {  	[timem:s7], [sflag:s22] =	dma.local [hbm:s5], s20  }
0x9e: {  	_ =	swait.ge [sflag:s22], s20  }
0x9f: {  	s4 =	ssub.s32 $0x0, s20;
	[sflag:s22] =	ssyncset.done $0x0  }
0xa0: {  	[sflag:s22] =	ssyncadd.s32 s4;
	_ =	sdelay $0x1  }
0xa1: {  	s23 =	simm.s32 $0x1B8B  }
0xa2: {  	_ =	swait.ge [sflag:s23], $0x1  }
0xa3: {  	[sflag:s23] =	ssyncset.done $0x0  }
0xa4: {  	s25 =	simm.s32 $0x1B8E;
	s24 =	sld [smem:$0x3FFE];
	[sflag:s23] =	ssyncadd.s32 $0xFFFFFFFF  }
0xa5: {  	s26 =	simm.s32 $execute0_lowered;
	[smem:$0x3FD2] =	sst s25  }
0xa6: {  	s5 =	sshll.u32 s26, $0x1;
	_ =	strace $0x80000046;
	[dreg:$0x1] =	wrdreg $0xFFFFFFFF  }
0xa7: {  	s28 =	simm.s32 $_size_execute0_lowered;
	s3 =	sadd.s32 s3, s5;
	[dreg:$0x0] =	wrdreg $0x0  }
0xa8: {  	s5 =	sshll.u32 s28, $0x1;
	[dreg:$0x2] =	wrdreg s3  }
0xa9: {  	[dreg:$0x3] =	wrdreg s5  }
0xaa: {  	[dreg:$0x4] =	wrdreg $0xC0  }
0xab: {  	_ =	task [dreg:s7], $0x5FFFF  }
0xac: {  	[dreg:$0x1] =	wrdreg $0xFFFFFFFF  }
0xad: {  	[dreg:$0x0] =	wrdreg $0x60  }
0xae: {  	[dreg:$0x2] =	wrdreg s24  }
0xaf: {  	[dreg:$0x3] =	wrdreg s2  }
0xb0: {  	[dreg:$0x4] =	wrdreg $0x9  }
0xb1: {  	_ =	task.clear_ibuf [dreg:s7], $0x5FFFF;
	_ =	strace $0x90000046  }
0xb2: {  	s29 =	simm.s32 $0x9;
	_ =	strace $0x80000048  }
0xb3: {  	_ =	swait.ge [sflag:s29], $0x1  }
0xb4: {  	[sflag:s29] =	ssyncadd.s32 $0xFFFFFFFF  }
0xb5: {  	_ =	strace $0x90000048  }
0xb6: {  	_ =	sfence  }
0xb7: {  	s30 =	sld [smem:$0x0];
	_ =	sdelay $0x2  }
0xb8: {  	s31 =	sshll.u32 s1, $0xD;
	s1 =	sshrl.u32 s1, $0x2  }
0xb9: {  	s3 =	sand.u32 $0x4000, s31;
	s1 =	sadd.s32 s1, s30  }
0xba: {  	s0 =	sor.u32 s3, s0;
	s1 =	sshll.u32 s1, $0x11  }
0xbb: {  	s0 =	sor.u32 s1, s0  }
0xbc: {  	s0 =	sadd.s32 $0x8F2B, s0  }
0xbd: {  	[sflag:s0] =	ssyncadd.remote.s32 $0x1  }
0xbe: {  	_ =	sfence.sel $0xFFFF  }
0xbf: {  	[dreg:$0x0] =	wrdreg $0xFFFFFFFF;
	(pc) =	sbr.abs _section_cstart, $3  }
0xc0: {  	[dreg:$0x1] =	wrdreg $0xFFFFFFFF  }
0xc1: {  	_ =	task.clear_ibuf [dreg:s7], $0x2FFFF;
	_ =	strace $0x9FFFFFFF  }
0xc2: {  	(tm) =	ssettm $0x7FFFFFFF  }
0xc3: {  	_ =	shalt  }
tec
execute0_lowered:
.L_overlay_start_1:
0x0: {  	(tag) =	ssettag $0x1  }
0x1: {  	s0 =	srdreg.scid  }
0x2: {  	s1 =	stileid.u32;
	s0 =	sand.u32 $0x1, s0  }
0x3: {  	s2 =	rddreg [dreg:$0x0];
	s1 =	sshll.u32 s1, $0xB;
	s3 =	sshll.u32 s0, $0xA  }
0x4: {  	s4 =	rddreg [dreg:$0x1];
	s1 =	sor.u32 s3, s1  }
0x5: {  	s3 =	simm.s32 $0x0;
	s5 =	sshrl.u32 s1, $0x3;
	s1 =	sshll.u32 s1, $0x5  }
0x6: {  	[smem:$0x7FF] =	sst s3;
	s5 =	sadd.s32 s5, s2;
	s6 =	sadd.s32 s4, s1  }
0x7: {  	_ =	strace $0x80000047;
	s5 =	sadd.s32 $0x40000, s5;
	[dreg:$0xb] =	wrdreg s6  }
0x8: {  	s23 =	simm.s32 $0x8400;
	s1 =	sadd.s32 $0x1000, s6;
	[dreg:$0x3] =	wrdreg s5  }
0x9: {  	s13 =	simm.s32 $0x1;
	s24 =	sadd.s32 $0x2000, s6;
	[dreg:$0x4] =	wrdreg s1  }
0xa: {  	s14 =	simm.s32 $0x2;
	s25 =	sadd.s32 $0x3000, s6;
	[dreg:$0x5] =	wrdreg s24  }
0xb: {  	s0 =	ssub.s32 $0x2, s0;
	s26 =	sadd.s32 $0x4000, s6;
	[dreg:$0x6] =	wrdreg s25  }
0xc: {  	s30 =	sshrl.u32 s0, $0x1;
	s28 =	sadd.s32 $0x5000, s6;
	[dreg:$0x7] =	wrdreg s26  }
0xd: {  	v2 =	vlaneseq.u32;
	s0 =	ssub.s32 s0, s30;
	s29 =	sadd.s32 $0x6000, s6;
	[dreg:$0x8] =	wrdreg s28  }
0xe: {  	vm0 =	vmmov $0xffff;
	v1 =	vshrl.u32 v2, $0x3;
	s31 =	sadd.s32 $0x7000, s6;
	s6 =	simm.s32 $0x3;
	[dreg:$0x9] =	wrdreg s29  }
0xf: {  	v0 =	vand.u32 $0x7, v2;
	v2 =	vor.u32 $0x8, v2;
	v1 =	vmul.u32 $0x8, v1;
	[dreg:$0xa] =	wrdreg s31;
	s5 =	smax.u32 s0, $0x1;
	s24 =	simm.s32 $0x400  }
.LBB2_1:
0x10: {  	s15 =	rddreg [dreg:$0x3]  }
0x11: {  	[tilespmem:s3], [sflag:$0x3] =	stream.linear.gather [hbm4b:s15+s3], $0x400, $0x38;
	[tilespmem:$0x10400] =	vst v63  }
0x12: {  	_ =	swait.ge [sflag:s6], $0x400  }
0x13: {  	[sflag:s6] =	ssyncset.done $0x0  }
0x14: {  	[sflag:s6] =	ssyncadd.s32 $0xFFFFFC00  }
0x15: {  	v3 =	vld [tilespmem:$0x0];
	_ =	sdelay $0x4  }
0x16: {  	v4 =	vshll.u32 v3, $0x1  }
0x17: {  	v3 =	vand.u32 $0x7, v3;
	v4 =	vand.u32 $0xFFFFFFF0, v4  }
0x18: {  	v3 =	vor.u32 v3, v4  }
0x19: {  	v4 =	vperm.xlane v3, v0;
	_ =	sdelay $0x1  }
0x1a: {  	v3 =	vperm.xlane v3, v2;
	v4 =	vadd.s32 v1, v4;
	_ =	sdelay $0x1  }
0x1b: {  	v3 =	vadd.s32 v1, v3;
	_ =	sdelay $0x2  }
0x1c: {  	[tilespmem:s24], [sflag:$0x1] =	stream.indirect_vreg.gather [hbm4b:s2+s3], $0x80, v4, vm0, $0xb8;
	[tilespmem:$0x10400] =	vst v63  }
0x1d: {  	s0 =	simm.s32 $0xC00  }
0x1e: {  	[tilespmem:s0], [sflag:$0x1] =	stream.indirect_vreg.gather [hbm4b:s2+s3], $0x80, v3, vm0, $0xb8;
	[tilespmem:$0x10400] =	vst v63  }
0x1f: {  	v3 =	vld [tilespmem:$0x10];
	_ =	sdelay $0x4  }
0x20: {  	v57 =	vshll.u32 v3, $0x1  }
0x21: {  	v3 =	vand.u32 $0x7, v3;
	v4 =	vand.u32 $0xFFFFFFF0, v57  }
0x22: {  	v3 =	vor.u32 v3, v4  }
0x23: {  	v4 =	vperm.xlane v3, v0;
	_ =	sdelay $0x1  }
0x24: {  	v3 =	vperm.xlane v3, v2;
	v4 =	vadd.s32 v1, v4;
	_ =	sdelay $0x1  }
0x25: {  	v3 =	vadd.s32 v1, v3;
	_ =	sdelay $0x1  }
0x26: {  	s28 =	simm.s32 $0x1400  }
0x27: {  	[tilespmem:s28], [sflag:$0x1] =	stream.indirect_vreg.gather [hbm4b:s2+s3], $0x80, v4, vm0, $0xb8;
	[tilespmem:$0x10400] =	vst v63  }
0x28: {  	s29 =	simm.s32 $0x1C00  }
0x29: {  	[tilespmem:s29], [sflag:$0x1] =	stream.indirect_vreg.gather [hbm4b:s2+s3], $0x80, v3, vm0, $0xb8;
	[tilespmem:$0x10400] =	vst v63  }
0x2a: {  	v3 =	vld [tilespmem:$0x20];
	_ =	sdelay $0x4  }
0x2b: {  	v58 =	vshll.u32 v3, $0x1  }
0x2c: {  	v3 =	vand.u32 $0x7, v3;
	v4 =	vand.u32 $0xFFFFFFF0, v58  }
0x2d: {  	v3 =	vor.u32 v3, v4  }
0x2e: {  	v4 =	vperm.xlane v3, v0;
	_ =	sdelay $0x1  }
0x2f: {  	v3 =	vperm.xlane v3, v2;
	v4 =	vadd.s32 v1, v4;
	_ =	sdelay $0x1  }
0x30: {  	v3 =	vadd.s32 v1, v3;
	_ =	sdelay $0x1  }
0x31: {  	s30 =	simm.s32 $0x2400  }
0x32: {  	[tilespmem:s30], [sflag:$0x1] =	stream.indirect_vreg.gather [hbm4b:s2+s3], $0x80, v4, vm0, $0xb8;
	[tilespmem:$0x10400] =	vst v63  }
0x33: {  	s31 =	simm.s32 $0x2C00  }
0x34: {  	[tilespmem:s31], [sflag:$0x1] =	stream.indirect_vreg.gather [hbm4b:s2+s3], $0x80, v3, vm0, $0xb8;
	[tilespmem:$0x10400] =	vst v63  }
0x35: {  	v3 =	vld [tilespmem:$0x30];
	_ =	sdelay $0x4  }
0x36: {  	v59 =	vshll.u32 v3, $0x1  }
0x37: {  	v3 =	vand.u32 $0x7, v3;
	v4 =	vand.u32 $0xFFFFFFF0, v59  }
0x38: {  	v3 =	vor.u32 v3, v4  }
0x39: {  	v4 =	vperm.xlane v3, v0;
	_ =	sdelay $0x1  }
0x3a: {  	v3 =	vperm.xlane v3, v2;
	v4 =	vadd.s32 v1, v4;
	_ =	sdelay $0x1  }
0x3b: {  	v3 =	vadd.s32 v1, v3;
	_ =	sdelay $0x1  }
0x3c: {  	s1 =	simm.s32 $0x3400  }
0x3d: {  	[tilespmem:s1], [sflag:$0x1] =	stream.indirect_vreg.gather [hbm4b:s2+s3], $0x80, v4, vm0, $0xb8;
	[tilespmem:$0x10400] =	vst v63  }
0x3e: {  	s10 =	simm.s32 $0x3C00  }
0x3f: {  	[tilespmem:s10], [sflag:$0x1] =	stream.indirect_vreg.gather [hbm4b:s2+s3], $0x80, v3, vm0, $0xb8;
	[tilespmem:$0x10400] =	vst v63  }
0x40: {  	v3 =	vld [tilespmem:$0x40];
	_ =	sdelay $0x4  }
0x41: {  	v60 =	vshll.u32 v3, $0x1  }
0x42: {  	v3 =	vand.u32 $0x7, v3;
	v4 =	vand.u32 $0xFFFFFFF0, v60  }
0x43: {  	v3 =	vor.u32 v3, v4  }
0x44: {  	v4 =	vperm.xlane v3, v0;
	_ =	sdelay $0x1  }
0x45: {  	v3 =	vperm.xlane v3, v2;
	v4 =	vadd.s32 v1, v4;
	_ =	sdelay $0x1  }
0x46: {  	v3 =	vadd.s32 v1, v3;
	_ =	sdelay $0x1  }
0x47: {  	s11 =	simm.s32 $0x4400  }
0x48: {  	[tilespmem:s11], [sflag:$0x1] =	stream.indirect_vreg.gather [hbm4b:s2+s3], $0x80, v4, vm0, $0xb8;
	[tilespmem:$0x10400] =	vst v63  }
0x49: {  	s12 =	simm.s32 $0x4C00  }
0x4a: {  	[tilespmem:s12], [sflag:$0x1] =	stream.indirect_vreg.gather [hbm4b:s2+s3], $0x80, v3, vm0, $0xb8;
	[tilespmem:$0x10400] =	vst v63  }
0x4b: {  	v3 =	vld [tilespmem:$0x50];
	_ =	sdelay $0x4  }
0x4c: {  	v61 =	vshll.u32 v3, $0x1  }
0x4d: {  	v3 =	vand.u32 $0x7, v3;
	v4 =	vand.u32 $0xFFFFFFF0, v61  }
0x4e: {  	v3 =	vor.u32 v3, v4  }
0x4f: {  	v4 =	vperm.xlane v3, v0;
	_ =	sdelay $0x1  }
0x50: {  	v3 =	vperm.xlane v3, v2;
	v4 =	vadd.s32 v1, v4;
	_ =	sdelay $0x1  }
0x51: {  	v3 =	vadd.s32 v1, v3;
	_ =	sdelay $0x1  }
0x52: {  	s15 =	simm.s32 $0x5400  }
0x53: {  	[tilespmem:s15], [sflag:$0x1] =	stream.indirect_vreg.gather [hbm4b:s2+s3], $0x80, v4, vm0, $0xb8;
	[tilespmem:$0x10400] =	vst v63  }
0x54: {  	s16 =	simm.s32 $0x5C00  }
0x55: {  	[tilespmem:s16], [sflag:$0x1] =	stream.indirect_vreg.gather [hbm4b:s2+s3], $0x80, v3, vm0, $0xb8;
	[tilespmem:$0x10400] =	vst v63  }
0x56: {  	v3 =	vld [tilespmem:$0x60];
	_ =	sdelay $0x4  }
0x57: {  	v62 =	vshll.u32 v3, $0x1  }
0x58: {  	v3 =	vand.u32 $0x7, v3;
	v4 =	vand.u32 $0xFFFFFFF0, v62  }
0x59: {  	v3 =	vor.u32 v3, v4  }
0x5a: {  	v4 =	vperm.xlane v3, v0;
	_ =	sdelay $0x1  }
0x5b: {  	v3 =	vperm.xlane v3, v2;
	v4 =	vadd.s32 v1, v4;
	_ =	sdelay $0x1  }
0x5c: {  	v3 =	vadd.s32 v1, v3;
	_ =	sdelay $0x1  }
0x5d: {  	s17 =	simm.s32 $0x6400  }
0x5e: {  	[tilespmem:s17], [sflag:$0x1] =	stream.indirect_vreg.gather [hbm4b:s2+s3], $0x80, v4, vm0, $0xb8;
	[tilespmem:$0x10400] =	vst v63  }
0x5f: {  	s18 =	simm.s32 $0x6C00  }
0x60: {  	[tilespmem:s18], [sflag:$0x1] =	stream.indirect_vreg.gather [hbm4b:s2+s3], $0x80, v3, vm0, $0xb8;
	[tilespmem:$0x10400] =	vst v63  }
0x61: {  	v3 =	vld [tilespmem:$0x70];
	_ =	sdelay $0x4  }
0x62: {  	v63 =	vshll.u32 v3, $0x1  }
0x63: {  	v3 =	vand.u32 $0x7, v3;
	v4 =	vand.u32 $0xFFFFFFF0, v63  }
0x64: {  	v3 =	vor.u32 v3, v4  }
0x65: {  	v4 =	vperm.xlane v3, v0;
	_ =	sdelay $0x1  }
0x66: {  	v3 =	vperm.xlane v3, v2;
	v4 =	vadd.s32 v1, v4;
	_ =	sdelay $0x1  }
0x67: {  	v3 =	vadd.s32 v1, v3;
	_ =	sdelay $0x1  }
0x68: {  	s19 =	simm.s32 $0x7400  }
0x69: {  	[tilespmem:s19], [sflag:$0x1] =	stream.indirect_vreg.gather [hbm4b:s2+s3], $0x80, v4, vm0, $0xb8;
	[tilespmem:$0x10400] =	vst v63  }
0x6a: {  	s20 =	simm.s32 $0x7C00  }
0x6b: {  	[tilespmem:s20], [sflag:$0x1] =	stream.indirect_vreg.gather [hbm4b:s2+s3], $0x80, v3, vm0, $0xb8;
	[tilespmem:$0x10400] =	vst v63  }
0x6c: {  	v3 =	vld [tilespmem:$0x80];
	_ =	sdelay $0x4  }
0x6d: {  	v8 =	vshll.u32 v3, $0x1  }
0x6e: {  	v3 =	vand.u32 $0x7, v3;
	v4 =	vand.u32 $0xFFFFFFF0, v8  }
0x6f: {  	v3 =	vor.u32 v3, v4  }
0x70: {  	v4 =	vperm.xlane v3, v0;
	_ =	sdelay $0x1  }
0x71: {  	v3 =	vperm.xlane v3, v2;
	v4 =	vadd.s32 v1, v4;
	_ =	sdelay $0x1  }
0x72: {  	v3 =	vadd.s32 v1, v3;
	_ =	sdelay $0x2  }
0x73: {  	[tilespmem:s23], [sflag:$0x2] =	stream.indirect_vreg.gather [hbm4b:s2+s3], $0x80, v4, vm0, $0xb8;
	[tilespmem:$0x10400] =	vst v63  }
0x74: {  	s21 =	simm.s32 $0x8C00  }
0x75: {  	[tilespmem:s21], [sflag:$0x2] =	stream.indirect_vreg.gather [hbm4b:s2+s3], $0x80, v3, vm0, $0xb8;
	[tilespmem:$0x10400] =	vst v63  }
0x76: {  	v3 =	vld [tilespmem:$0x90];
	_ =	sdelay $0x4  }
0x77: {  	v9 =	vshll.u32 v3, $0x1  }
0x78: {  	v3 =	vand.u32 $0x7, v3;
	v4 =	vand.u32 $0xFFFFFFF0, v9  }
0x79: {  	v3 =	vor.u32 v3, v4  }
0x7a: {  	v4 =	vperm.xlane v3, v0;
	_ =	sdelay $0x1  }
0x7b: {  	v3 =	vperm.xlane v3, v2;
	v4 =	vadd.s32 v1, v4;
	_ =	sdelay $0x1  }
0x7c: {  	v3 =	vadd.s32 v1, v3;
	_ =	sdelay $0x1  }
0x7d: {  	s22 =	simm.s32 $0x9400  }
0x7e: {  	[tilespmem:s22], [sflag:$0x2] =	stream.indirect_vreg.gather [hbm4b:s2+s3], $0x80, v4, vm0, $0xb8;
	[tilespmem:$0x10400] =	vst v63  }
0x7f: {  	s25 =	simm.s32 $0x9C00  }
0x80: {  	[tilespmem:s25], [sflag:$0x2] =	stream.indirect_vreg.gather [hbm4b:s2+s3], $0x80, v3, vm0, $0xb8;
	[tilespmem:$0x10400] =	vst v63  }
0x81: {  	v3 =	vld [tilespmem:$0xA0];
	_ =	sdelay $0x4  }
0x82: {  	v10 =	vshll.u32 v3, $0x1  }
0x83: {  	v3 =	vand.u32 $0x7, v3;
	v4 =	vand.u32 $0xFFFFFFF0, v10  }
0x84: {  	v3 =	vor.u32 v3, v4  }
0x85: {  	v4 =	vperm.xlane v3, v0;
	_ =	sdelay $0x1  }
0x86: {  	v3 =	vperm.xlane v3, v2;
	v4 =	vadd.s32 v1, v4;
	_ =	sdelay $0x1  }
0x87: {  	v3 =	vadd.s32 v1, v3;
	_ =	sdelay $0x1  }
0x88: {  	s26 =	simm.s32 $0xA400  }
0x89: {  	[tilespmem:s26], [sflag:$0x2] =	stream.indirect_vreg.gather [hbm4b:s2+s3], $0x80, v4, vm0, $0xb8;
	[tilespmem:$0x10400] =	vst v63  }
0x8a: {  	s28 =	simm.s32 $0xAC00  }
0x8b: {  	[tilespmem:s28], [sflag:$0x2] =	stream.indirect_vreg.gather [hbm4b:s2+s3], $0x80, v3, vm0, $0xb8;
	[tilespmem:$0x10400] =	vst v63  }
0x8c: {  	v3 =	vld [tilespmem:$0xB0];
	_ =	sdelay $0x4  }
0x8d: {  	v11 =	vshll.u32 v3, $0x1  }
0x8e: {  	v3 =	vand.u32 $0x7, v3;
	v4 =	vand.u32 $0xFFFFFFF0, v11  }
0x8f: {  	v3 =	vor.u32 v3, v4  }
0x90: {  	v4 =	vperm.xlane v3, v0;
	_ =	sdelay $0x1  }
0x91: {  	v3 =	vperm.xlane v3, v2;
	v4 =	vadd.s32 v1, v4;
	_ =	sdelay $0x1  }
0x92: {  	v3 =	vadd.s32 v1, v3;
	_ =	sdelay $0x1  }
0x93: {  	s29 =	simm.s32 $0xB400  }
0x94: {  	[tilespmem:s29], [sflag:$0x2] =	stream.indirect_vreg.gather [hbm4b:s2+s3], $0x80, v4, vm0, $0xb8;
	[tilespmem:$0x10400] =	vst v63  }
0x95: {  	s30 =	simm.s32 $0xBC00  }
0x96: {  	[tilespmem:s30], [sflag:$0x2] =	stream.indirect_vreg.gather [hbm4b:s2+s3], $0x80, v3, vm0, $0xb8;
	[tilespmem:$0x10400] =	vst v63  }
0x97: {  	v3 =	vld [tilespmem:$0xC0];
	_ =	sdelay $0x4  }
0x98: {  	v12 =	vshll.u32 v3, $0x1  }
0x99: {  	v3 =	vand.u32 $0x7, v3;
	v4 =	vand.u32 $0xFFFFFFF0, v12  }
0x9a: {  	v3 =	vor.u32 v3, v4  }
0x9b: {  	v4 =	vperm.xlane v3, v0;
	_ =	sdelay $0x1  }
0x9c: {  	v3 =	vperm.xlane v3, v2;
	v4 =	vadd.s32 v1, v4;
	_ =	sdelay $0x1  }
0x9d: {  	v3 =	vadd.s32 v1, v3;
	_ =	sdelay $0x1  }
0x9e: {  	s31 =	simm.s32 $0xC400  }
0x9f: {  	[tilespmem:s31], [sflag:$0x2] =	stream.indirect_vreg.gather [hbm4b:s2+s3], $0x80, v4, vm0, $0xb8;
	[tilespmem:$0x10400] =	vst v63  }
0xa0: {  	s0 =	simm.s32 $0xCC00  }
0xa1: {  	[tilespmem:s0], [sflag:$0x2] =	stream.indirect_vreg.gather [hbm4b:s2+s3], $0x80, v3, vm0, $0xb8;
	[tilespmem:$0x10400] =	vst v63  }
0xa2: {  	v3 =	vld [tilespmem:$0xD0];
	_ =	sdelay $0x4  }
0xa3: {  	v13 =	vshll.u32 v3, $0x1  }
0xa4: {  	v3 =	vand.u32 $0x7, v3;
	v4 =	vand.u32 $0xFFFFFFF0, v13  }
0xa5: {  	v3 =	vor.u32 v3, v4  }
0xa6: {  	v4 =	vperm.xlane v3, v0;
	_ =	sdelay $0x1  }
0xa7: {  	v3 =	vperm.xlane v3, v2;
	v4 =	vadd.s32 v1, v4;
	_ =	sdelay $0x1  }
0xa8: {  	v3 =	vadd.s32 v1, v3;
	_ =	sdelay $0x1  }
0xa9: {  	s11 =	simm.s32 $0xD400  }
0xaa: {  	[tilespmem:s11], [sflag:$0x2] =	stream.indirect_vreg.gather [hbm4b:s2+s3], $0x80, v4, vm0, $0xb8;
	[tilespmem:$0x10400] =	vst v63  }
0xab: {  	s12 =	simm.s32 $0xDC00  }
0xac: {  	[tilespmem:s12], [sflag:$0x2] =	stream.indirect_vreg.gather [hbm4b:s2+s3], $0x80, v3, vm0, $0xb8;
	[tilespmem:$0x10400] =	vst v63  }
0xad: {  	v3 =	vld [tilespmem:$0xE0];
	_ =	sdelay $0x4  }
0xae: {  	v14 =	vshll.u32 v3, $0x1  }
0xaf: {  	v3 =	vand.u32 $0x7, v3;
	v4 =	vand.u32 $0xFFFFFFF0, v14  }
0xb0: {  	v3 =	vor.u32 v3, v4  }
0xb1: {  	v4 =	vperm.xlane v3, v0;
	_ =	sdelay $0x1  }
0xb2: {  	v3 =	vperm.xlane v3, v2;
	v4 =	vadd.s32 v1, v4;
	_ =	sdelay $0x1  }
0xb3: {  	v3 =	vadd.s32 v1, v3;
	_ =	sdelay $0x1  }
0xb4: {  	s17 =	simm.s32 $0xE400  }
0xb5: {  	[tilespmem:s17], [sflag:$0x2] =	stream.indirect_vreg.gather [hbm4b:s2+s3], $0x80, v4, vm0, $0xb8;
	[tilespmem:$0x10400] =	vst v63  }
0xb6: {  	s18 =	simm.s32 $0xEC00  }
0xb7: {  	[tilespmem:s18], [sflag:$0x2] =	stream.indirect_vreg.gather [hbm4b:s2+s3], $0x80, v3, vm0, $0xb8;
	[tilespmem:$0x10400] =	vst v63  }
0xb8: {  	v3 =	vld [tilespmem:$0xF0];
	_ =	sdelay $0x4  }
0xb9: {  	v15 =	vshll.u32 v3, $0x1  }
0xba: {  	v3 =	vand.u32 $0x7, v3;
	v4 =	vand.u32 $0xFFFFFFF0, v15  }
0xbb: {  	v3 =	vor.u32 v3, v4  }
0xbc: {  	v4 =	vperm.xlane v3, v0;
	_ =	sdelay $0x1  }
0xbd: {  	v3 =	vperm.xlane v3, v2;
	v4 =	vadd.s32 v1, v4;
	_ =	sdelay $0x1  }
0xbe: {  	v3 =	vadd.s32 v1, v3;
	_ =	sdelay $0x1  }
0xbf: {  	s20 =	simm.s32 $0xF400  }
0xc0: {  	[tilespmem:s20], [sflag:$0x2] =	stream.indirect_vreg.gather [hbm4b:s2+s3], $0x80, v4, vm0, $0xb8;
	[tilespmem:$0x10400] =	vst v63  }
0xc1: {  	s26 =	simm.s32 $0xFC00  }
0xc2: {  	[tilespmem:s26], [sflag:$0x2] =	stream.indirect_vreg.gather [hbm4b:s2+s3], $0x80, v3, vm0, $0xb8;
	[tilespmem:$0x10400] =	vst v63  }
0xc3: {  	_ =	swait.ge [sflag:s13], $0x8000  }
0xc4: {  	[sflag:s13] =	ssyncset.done $0x0  }
0xc5: {  	s0 =	rddreg [dreg:$0xb];
	[sflag:s13] =	ssyncadd.s32 $0xFFFF8000  }
0xc6: {  	[hbm4b:s0+s3] =	stream.linear.scatter [tilespmem:s24], [sflag:$0x3], $0x8000, $0x38;
	[tilespmem:$0x10400] =	vst v63  }
0xc7: {  	_ =	swait.ge [sflag:s6], $0x8000  }
0xc8: {  	[sflag:s6] =	ssyncset.done $0x0  }
0xc9: {  	[sflag:s6] =	ssyncadd.s32 $0xFFFF8000  }
0xca: {  	v3 =	vld [tilespmem:$0x100];
	_ =	sdelay $0x4  }
0xcb: {  	v16 =	vshll.u32 v3, $0x1  }
0xcc: {  	v3 =	vand.u32 $0x7, v3;
	v4 =	vand.u32 $0xFFFFFFF0, v16  }
0xcd: {  	v3 =	vor.u32 v3, v4  }
0xce: {  	v4 =	vperm.xlane v3, v0;
	_ =	sdelay $0x1  }
0xcf: {  	v3 =	vperm.xlane v3, v2;
	v4 =	vadd.s32 v1, v4;
	_ =	sdelay $0x1  }
0xd0: {  	v3 =	vadd.s32 v1, v3;
	_ =	sdelay $0x2  }
0xd1: {  	[tilespmem:s24], [sflag:$0x1] =	stream.indirect_vreg.gather [hbm4b:s2+s3], $0x80, v4, vm0, $0xb8;
	[tilespmem:$0x10400] =	vst v63  }
0xd2: {  	s8 =	simm.s32 $0xC00  }
0xd3: {  	[tilespmem:s8], [sflag:$0x1] =	stream.indirect_vreg.gather [hbm4b:s2+s3], $0x80, v3, vm0, $0xb8;
	[tilespmem:$0x10400] =	vst v63  }
0xd4: {  	v3 =	vld [tilespmem:$0x110];
	_ =	sdelay $0x4  }
0xd5: {  	v17 =	vshll.u32 v3, $0x1  }
0xd6: {  	v3 =	vand.u32 $0x7, v3;
	v4 =	vand.u32 $0xFFFFFFF0, v17  }
0xd7: {  	v3 =	vor.u32 v3, v4  }
0xd8: {  	v4 =	vperm.xlane v3, v0;
	_ =	sdelay $0x1  }
0xd9: {  	v3 =	vperm.xlane v3, v2;
	v4 =	vadd.s32 v1, v4;
	_ =	sdelay $0x1  }
0xda: {  	v3 =	vadd.s32 v1, v3;
	_ =	sdelay $0x1  }
0xdb: {  	s4 =	simm.s32 $0x1400  }
0xdc: {  	[tilespmem:s4], [sflag:$0x1] =	stream.indirect_vreg.gather [hbm4b:s2+s3], $0x80, v4, vm0, $0xb8;
	[tilespmem:$0x10400] =	vst v63  }
0xdd: {  	s20 =	simm.s32 $0x1C00  }
0xde: {  	[tilespmem:s20], [sflag:$0x1] =	stream.indirect_vreg.gather [hbm4b:s2+s3], $0x80, v3, vm0, $0xb8;
	[tilespmem:$0x10400] =	vst v63  }
0xdf: {  	v3 =	vld [tilespmem:$0x120];
	_ =	sdelay $0x4  }
0xe0: {  	v18 =	vshll.u32 v3, $0x1  }
0xe1: {  	v3 =	vand.u32 $0x7, v3;
	v4 =	vand.u32 $0xFFFFFFF0, v18  }
0xe2: {  	v3 =	vor.u32 v3, v4  }
0xe3: {  	v4 =	vperm.xlane v3, v0;
	_ =	sdelay $0x1  }
0xe4: {  	v3 =	vperm.xlane v3, v2;
	v4 =	vadd.s32 v1, v4;
	_ =	sdelay $0x1  }
0xe5: {  	v3 =	vadd.s32 v1, v3;
	_ =	sdelay $0x1  }
0xe6: {  	s7 =	simm.s32 $0x2400  }
0xe7: {  	[tilespmem:s7], [sflag:$0x1] =	stream.indirect_vreg.gather [hbm4b:s2+s3], $0x80, v4, vm0, $0xb8;
	[tilespmem:$0x10400] =	vst v63  }
0xe8: {  	s9 =	simm.s32 $0x2C00  }
0xe9: {  	[tilespmem:s9], [sflag:$0x1] =	stream.indirect_vreg.gather [hbm4b:s2+s3], $0x80, v3, vm0, $0xb8;
	[tilespmem:$0x10400] =	vst v63  }
0xea: {  	v3 =	vld [tilespmem:$0x130];
	_ =	sdelay $0x4  }
0xeb: {  	v19 =	vshll.u32 v3, $0x1  }
0xec: {  	v3 =	vand.u32 $0x7, v3;
	v4 =	vand.u32 $0xFFFFFFF0, v19  }
0xed: {  	v3 =	vor.u32 v3, v4  }
0xee: {  	v4 =	vperm.xlane v3, v0;
	_ =	sdelay $0x1  }
0xef: {  	v3 =	vperm.xlane v3, v2;
	v4 =	vadd.s32 v1, v4;
	_ =	sdelay $0x1  }
0xf0: {  	v3 =	vadd.s32 v1, v3;
	_ =	sdelay $0x1  }
0xf1: {  	s8 =	simm.s32 $0x3400  }
0xf2: {  	[tilespmem:s8], [sflag:$0x1] =	stream.indirect_vreg.gather [hbm4b:s2+s3], $0x80, v4, vm0, $0xb8;
	[tilespmem:$0x10400] =	vst v63  }
0xf3: {  	s11 =	simm.s32 $0x3C00  }
0xf4: {  	[tilespmem:s11], [sflag:$0x1] =	stream.indirect_vreg.gather [hbm4b:s2+s3], $0x80, v3, vm0, $0xb8;
	[tilespmem:$0x10400] =	vst v63  }
0xf5: {  	v3 =	vld [tilespmem:$0x140];
	_ =	sdelay $0x4  }
0xf6: {  	v20 =	vshll.u32 v3, $0x1  }
0xf7: {  	v3 =	vand.u32 $0x7, v3;
	v4 =	vand.u32 $0xFFFFFFF0, v20  }
0xf8: {  	v3 =	vor.u32 v3, v4  }
0xf9: {  	v4 =	vperm.xlane v3, v0;
	_ =	sdelay $0x1  }
0xfa: {  	v3 =	vperm.xlane v3, v2;
	v4 =	vadd.s32 v1, v4;
	_ =	sdelay $0x1  }
0xfb: {  	v3 =	vadd.s32 v1, v3;
	_ =	sdelay $0x1  }
0xfc: {  	s9 =	simm.s32 $0x4400  }
0xfd: {  	[tilespmem:s9], [sflag:$0x1] =	stream.indirect_vreg.gather [hbm4b:s2+s3], $0x80, v4, vm0, $0xb8;
	[tilespmem:$0x10400] =	vst v63  }
0xfe: {  	s12 =	simm.s32 $0x4C00  }
0xff: {  	[tilespmem:s12], [sflag:$0x1] =	stream.indirect_vreg.gather [hbm4b:s2+s3], $0x80, v3, vm0, $0xb8;
	[tilespmem:$0x10400] =	vst v63  }
0x100: {  	v3 =	vld [tilespmem:$0x150];
	_ =	sdelay $0x4  }
0x101: {  	v21 =	vshll.u32 v3, $0x1  }
0x102: {  	v3 =	vand.u32 $0x7, v3;
	v4 =	vand.u32 $0xFFFFFFF0, v21  }
0x103: {  	v3 =	vor.u32 v3, v4  }
0x104: {  	v4 =	vperm.xlane v3, v0;
	_ =	sdelay $0x1  }
0x105: {  	v3 =	vperm.xlane v3, v2;
	v4 =	vadd.s32 v1, v4;
	_ =	sdelay $0x1  }
0x106: {  	v3 =	vadd.s32 v1, v3;
	_ =	sdelay $0x1  }
0x107: {  	s10 =	simm.s32 $0x5400  }
0x108: {  	[tilespmem:s10], [sflag:$0x1] =	stream.indirect_vreg.gather [hbm4b:s2+s3], $0x80, v4, vm0, $0xb8;
	[tilespmem:$0x10400] =	vst v63  }
0x109: {  	s16 =	simm.s32 $0x5C00  }
0x10a: {  	[tilespmem:s16], [sflag:$0x1] =	stream.indirect_vreg.gather [hbm4b:s2+s3], $0x80, v3, vm0, $0xb8;
	[tilespmem:$0x10400] =	vst v63  }
0x10b: {  	v3 =	vld [tilespmem:$0x160];
	_ =	sdelay $0x4  }
0x10c: {  	v22 =	vshll.u32 v3, $0x1  }
0x10d: {  	v3 =	vand.u32 $0x7, v3;
	v4 =	vand.u32 $0xFFFFFFF0, v22  }
0x10e: {  	v3 =	vor.u32 v3, v4  }
0x10f: {  	v4 =	vperm.xlane v3, v0;
	_ =	sdelay $0x1  }
0x110: {  	v3 =	vperm.xlane v3, v2;
	v4 =	vadd.s32 v1, v4;
	_ =	sdelay $0x1  }
0x111: {  	v3 =	vadd.s32 v1, v3;
	_ =	sdelay $0x1  }
0x112: {  	s16 =	simm.s32 $0x6400  }
0x113: {  	[tilespmem:s16], [sflag:$0x1] =	stream.indirect_vreg.gather [hbm4b:s2+s3], $0x80, v4, vm0, $0xb8;
	[tilespmem:$0x10400] =	vst v63  }
0x114: {  	s17 =	simm.s32 $0x6C00  }
0x115: {  	[tilespmem:s17], [sflag:$0x1] =	stream.indirect_vreg.gather [hbm4b:s2+s3], $0x80, v3, vm0, $0xb8;
	[tilespmem:$0x10400] =	vst v63  }
0x116: {  	v3 =	vld [tilespmem:$0x170];
	_ =	sdelay $0x4  }
0x117: {  	v23 =	vshll.u32 v3, $0x1  }
0x118: {  	v3 =	vand.u32 $0x7, v3;
	v4 =	vand.u32 $0xFFFFFFF0, v23  }
0x119: {  	v3 =	vor.u32 v3, v4  }
0x11a: {  	v4 =	vperm.xlane v3, v0;
	_ =	sdelay $0x1  }
0x11b: {  	v3 =	vperm.xlane v3, v2;
	v4 =	vadd.s32 v1, v4;
	_ =	sdelay $0x1  }
0x11c: {  	v3 =	vadd.s32 v1, v3;
	_ =	sdelay $0x1  }
0x11d: {  	s18 =	simm.s32 $0x7400  }
0x11e: {  	[tilespmem:s18], [sflag:$0x1] =	stream.indirect_vreg.gather [hbm4b:s2+s3], $0x80, v4, vm0, $0xb8;
	[tilespmem:$0x10400] =	vst v63  }
0x11f: {  	s10 =	simm.s32 $0x7C00  }
0x120: {  	[tilespmem:s10], [sflag:$0x1] =	stream.indirect_vreg.gather [hbm4b:s2+s3], $0x80, v3, vm0, $0xb8;
	[tilespmem:$0x10400] =	vst v63  }
0x121: {  	_ =	swait.ge [sflag:s14], $0x8000  }
0x122: {  	[sflag:s14] =	ssyncset.done $0x0  }
0x123: {  	s7 =	rddreg [dreg:$0x4];
	[sflag:s14] =	ssyncadd.s32 $0xFFFF8000  }
0x124: {  	[hbm4b:s7+s3] =	stream.linear.scatter [tilespmem:s23], [sflag:$0x3], $0x8000, $0x38;
	[tilespmem:$0x10400] =	vst v63  }
0x125: {  	_ =	swait.ge [sflag:s6], $0x8000  }
0x126: {  	[sflag:s6] =	ssyncset.done $0x0  }
0x127: {  	[sflag:s6] =	ssyncadd.s32 $0xFFFF8000  }
0x128: {  	v3 =	vld [tilespmem:$0x180];
	_ =	sdelay $0x4  }
0x129: {  	v24 =	vshll.u32 v3, $0x1  }
0x12a: {  	v3 =	vand.u32 $0x7, v3;
	v4 =	vand.u32 $0xFFFFFFF0, v24  }
0x12b: {  	v3 =	vor.u32 v3, v4  }
0x12c: {  	v4 =	vperm.xlane v3, v0;
	_ =	sdelay $0x1  }
0x12d: {  	v3 =	vperm.xlane v3, v2;
	v4 =	vadd.s32 v1, v4;
	_ =	sdelay $0x1  }
0x12e: {  	v3 =	vadd.s32 v1, v3;
	_ =	sdelay $0x2  }
0x12f: {  	[tilespmem:s23], [sflag:$0x2] =	stream.indirect_vreg.gather [hbm4b:s2+s3], $0x80, v4, vm0, $0xb8;
	[tilespmem:$0x10400] =	vst v63  }
0x130: {  	s1 =	simm.s32 $0x8C00  }
0x131: {  	[tilespmem:s1], [sflag:$0x2] =	stream.indirect_vreg.gather [hbm4b:s2+s3], $0x80, v3, vm0, $0xb8;
	[tilespmem:$0x10400] =	vst v63  }
0x132: {  	v3 =	vld [tilespmem:$0x190];
	_ =	sdelay $0x4  }
0x133: {  	v25 =	vshll.u32 v3, $0x1  }
0x134: {  	v3 =	vand.u32 $0x7, v3;
	v4 =	vand.u32 $0xFFFFFFF0, v25  }
0x135: {  	v3 =	vor.u32 v3, v4  }
0x136: {  	v4 =	vperm.xlane v3, v0;
	_ =	sdelay $0x1  }
0x137: {  	v3 =	vperm.xlane v3, v2;
	v4 =	vadd.s32 v1, v4;
	_ =	sdelay $0x1  }
0x138: {  	v3 =	vadd.s32 v1, v3;
	_ =	sdelay $0x1  }
0x139: {  	s0 =	simm.s32 $0x9400  }
0x13a: {  	[tilespmem:s0], [sflag:$0x2] =	stream.indirect_vreg.gather [hbm4b:s2+s3], $0x80, v4, vm0, $0xb8;
	[tilespmem:$0x10400] =	vst v63  }
0x13b: {  	s4 =	simm.s32 $0x9C00  }
0x13c: {  	[tilespmem:s4], [sflag:$0x2] =	stream.indirect_vreg.gather [hbm4b:s2+s3], $0x80, v3, vm0, $0xb8;
	[tilespmem:$0x10400] =	vst v63  }
0x13d: {  	v3 =	vld [tilespmem:$0x1A0];
	_ =	sdelay $0x4  }
0x13e: {  	v26 =	vshll.u32 v3, $0x1  }
0x13f: {  	v3 =	vand.u32 $0x7, v3;
	v4 =	vand.u32 $0xFFFFFFF0, v26  }
0x140: {  	v3 =	vor.u32 v3, v4  }
0x141: {  	v4 =	vperm.xlane v3, v0;
	_ =	sdelay $0x1  }
0x142: {  	v3 =	vperm.xlane v3, v2;
	v4 =	vadd.s32 v1, v4;
	_ =	sdelay $0x1  }
0x143: {  	v3 =	vadd.s32 v1, v3;
	_ =	sdelay $0x1  }
0x144: {  	s1 =	simm.s32 $0xA400  }
0x145: {  	[tilespmem:s1], [sflag:$0x2] =	stream.indirect_vreg.gather [hbm4b:s2+s3], $0x80, v4, vm0, $0xb8;
	[tilespmem:$0x10400] =	vst v63  }
0x146: {  	s7 =	simm.s32 $0xAC00  }
0x147: {  	[tilespmem:s7], [sflag:$0x2] =	stream.indirect_vreg.gather [hbm4b:s2+s3], $0x80, v3, vm0, $0xb8;
	[tilespmem:$0x10400] =	vst v63  }
0x148: {  	v3 =	vld [tilespmem:$0x1B0];
	_ =	sdelay $0x4  }
0x149: {  	v27 =	vshll.u32 v3, $0x1  }
0x14a: {  	v3 =	vand.u32 $0x7, v3;
	v4 =	vand.u32 $0xFFFFFFF0, v27  }
0x14b: {  	v3 =	vor.u32 v3, v4  }
0x14c: {  	v4 =	vperm.xlane v3, v0;
	_ =	sdelay $0x1  }
0x14d: {  	v3 =	vperm.xlane v3, v2;
	v4 =	vadd.s32 v1, v4;
	_ =	sdelay $0x1  }
0x14e: {  	v3 =	vadd.s32 v1, v3;
	_ =	sdelay $0x1  }
0x14f: {  	s28 =	simm.s32 $0xB400  }
0x150: {  	[tilespmem:s28], [sflag:$0x2] =	stream.indirect_vreg.gather [hbm4b:s2+s3], $0x80, v4, vm0, $0xb8;
	[tilespmem:$0x10400] =	vst v63  }
0x151: {  	s21 =	simm.s32 $0xBC00  }
0x152: {  	[tilespmem:s21], [sflag:$0x2] =	stream.indirect_vreg.gather [hbm4b:s2+s3], $0x80, v3, vm0, $0xb8;
	[tilespmem:$0x10400] =	vst v63  }
0x153: {  	v3 =	vld [tilespmem:$0x1C0];
	_ =	sdelay $0x4  }
0x154: {  	v28 =	vshll.u32 v3, $0x1  }
0x155: {  	v3 =	vand.u32 $0x7, v3;
	v4 =	vand.u32 $0xFFFFFFF0, v28  }
0x156: {  	v3 =	vor.u32 v3, v4  }
0x157: {  	v4 =	vperm.xlane v3, v0;
	_ =	sdelay $0x1  }
0x158: {  	v3 =	vperm.xlane v3, v2;
	v4 =	vadd.s32 v1, v4;
	_ =	sdelay $0x1  }
0x159: {  	v3 =	vadd.s32 v1, v3;
	_ =	sdelay $0x1  }
0x15a: {  	s31 =	simm.s32 $0xC400  }
0x15b: {  	[tilespmem:s31], [sflag:$0x2] =	stream.indirect_vreg.gather [hbm4b:s2+s3], $0x80, v4, vm0, $0xb8;
	[tilespmem:$0x10400] =	vst v63  }
0x15c: {  	s19 =	simm.s32 $0xCC00  }
0x15d: {  	[tilespmem:s19], [sflag:$0x2] =	stream.indirect_vreg.gather [hbm4b:s2+s3], $0x80, v3, vm0, $0xb8;
	[tilespmem:$0x10400] =	vst v63  }
0x15e: {  	v3 =	vld [tilespmem:$0x1D0];
	_ =	sdelay $0x4  }
0x15f: {  	v29 =	vshll.u32 v3, $0x1  }
0x160: {  	v3 =	vand.u32 $0x7, v3;
	v4 =	vand.u32 $0xFFFFFFF0, v29  }
0x161: {  	v3 =	vor.u32 v3, v4  }
0x162: {  	v4 =	vperm.xlane v3, v0;
	_ =	sdelay $0x1  }
0x163: {  	v3 =	vperm.xlane v3, v2;
	v4 =	vadd.s32 v1, v4;
	_ =	sdelay $0x1  }
0x164: {  	v3 =	vadd.s32 v1, v3;
	_ =	sdelay $0x1  }
0x165: {  	s31 =	simm.s32 $0xD400  }
0x166: {  	[tilespmem:s31], [sflag:$0x2] =	stream.indirect_vreg.gather [hbm4b:s2+s3], $0x80, v4, vm0, $0xb8;
	[tilespmem:$0x10400] =	vst v63  }
0x167: {  	s22 =	simm.s32 $0xDC00  }
0x168: {  	[tilespmem:s22], [sflag:$0x2] =	stream.indirect_vreg.gather [hbm4b:s2+s3], $0x80, v3, vm0, $0xb8;
	[tilespmem:$0x10400] =	vst v63  }
0x169: {  	v3 =	vld [tilespmem:$0x1E0];
	_ =	sdelay $0x4  }
0x16a: {  	v30 =	vshll.u32 v3, $0x1  }
0x16b: {  	v3 =	vand.u32 $0x7, v3;
	v4 =	vand.u32 $0xFFFFFFF0, v30  }
0x16c: {  	v3 =	vor.u32 v3, v4  }
0x16d: {  	v4 =	vperm.xlane v3, v0;
	_ =	sdelay $0x1  }
0x16e: {  	v3 =	vperm.xlane v3, v2;
	v4 =	vadd.s32 v1, v4;
	_ =	sdelay $0x1  }
0x16f: {  	v3 =	vadd.s32 v1, v3;
	_ =	sdelay $0x1  }
0x170: {  	s29 =	simm.s32 $0xE400  }
0x171: {  	[tilespmem:s29], [sflag:$0x2] =	stream.indirect_vreg.gather [hbm4b:s2+s3], $0x80, v4, vm0, $0xb8;
	[tilespmem:$0x10400] =	vst v63  }
0x172: {  	s25 =	simm.s32 $0xEC00  }
0x173: {  	[tilespmem:s25], [sflag:$0x2] =	stream.indirect_vreg.gather [hbm4b:s2+s3], $0x80, v3, vm0, $0xb8;
	[tilespmem:$0x10400] =	vst v63  }
0x174: {  	v3 =	vld [tilespmem:$0x1F0];
	_ =	sdelay $0x4  }
0x175: {  	v31 =	vshll.u32 v3, $0x1  }
0x176: {  	v3 =	vand.u32 $0x7, v3;
	v4 =	vand.u32 $0xFFFFFFF0, v31  }
0x177: {  	v3 =	vor.u32 v3, v4  }
0x178: {  	v4 =	vperm.xlane v3, v0;
	_ =	sdelay $0x1  }
0x179: {  	v3 =	vperm.xlane v3, v2;
	v4 =	vadd.s32 v1, v4;
	_ =	sdelay $0x1  }
0x17a: {  	v3 =	vadd.s32 v1, v3;
	_ =	sdelay $0x1  }
0x17b: {  	s30 =	simm.s32 $0xF400  }
0x17c: {  	[tilespmem:s30], [sflag:$0x2] =	stream.indirect_vreg.gather [hbm4b:s2+s3], $0x80, v4, vm0, $0xb8;
	[tilespmem:$0x10400] =	vst v63  }
0x17d: {  	s26 =	simm.s32 $0xFC00  }
0x17e: {  	[tilespmem:s26], [sflag:$0x2] =	stream.indirect_vreg.gather [hbm4b:s2+s3], $0x80, v3, vm0, $0xb8;
	[tilespmem:$0x10400] =	vst v63  }
0x17f: {  	_ =	swait.ge [sflag:s13], $0x8000  }
0x180: {  	[sflag:s13] =	ssyncset.done $0x0  }
0x181: {  	s29 =	rddreg [dreg:$0x5];
	[sflag:s13] =	ssyncadd.s32 $0xFFFF8000  }
0x182: {  	[hbm4b:s29+s3] =	stream.linear.scatter [tilespmem:s24], [sflag:$0x3], $0x8000, $0x38;
	[tilespmem:$0x10400] =	vst v63  }
0x183: {  	_ =	swait.ge [sflag:s6], $0x8000  }
0x184: {  	[sflag:s6] =	ssyncset.done $0x0  }
0x185: {  	[sflag:s6] =	ssyncadd.s32 $0xFFFF8000  }
0x186: {  	v3 =	vld [tilespmem:$0x200];
	_ =	sdelay $0x4  }
0x187: {  	v32 =	vshll.u32 v3, $0x1  }
0x188: {  	v3 =	vand.u32 $0x7, v3;
	v4 =	vand.u32 $0xFFFFFFF0, v32  }
0x189: {  	v3 =	vor.u32 v3, v4  }
0x18a: {  	v4 =	vperm.xlane v3, v0;
	_ =	sdelay $0x1  }
0x18b: {  	v3 =	vperm.xlane v3, v2;
	v4 =	vadd.s32 v1, v4;
	_ =	sdelay $0x1  }
0x18c: {  	v3 =	vadd.s32 v1, v3;
	_ =	sdelay $0x2  }
0x18d: {  	[tilespmem:s24], [sflag:$0x1] =	stream.indirect_vreg.gather [hbm4b:s2+s3], $0x80, v4, vm0, $0xb8;
	[tilespmem:$0x10400] =	vst v63  }
0x18e: {  	s25 =	simm.s32 $0xC00  }
0x18f: {  	[tilespmem:s25], [sflag:$0x1] =	stream.indirect_vreg.gather [hbm4b:s2+s3], $0x80, v3, vm0, $0xb8;
	[tilespmem:$0x10400] =	vst v63  }
0x190: {  	v3 =	vld [tilespmem:$0x210];
	_ =	sdelay $0x4  }
0x191: {  	v33 =	vshll.u32 v3, $0x1  }
0x192: {  	v3 =	vand.u32 $0x7, v3;
	v4 =	vand.u32 $0xFFFFFFF0, v33  }
0x193: {  	v3 =	vor.u32 v3, v4  }
0x194: {  	v4 =	vperm.xlane v3, v0;
	_ =	sdelay $0x1  }
0x195: {  	v3 =	vperm.xlane v3, v2;
	v4 =	vadd.s32 v1, v4;
	_ =	sdelay $0x1  }
0x196: {  	v3 =	vadd.s32 v1, v3;
	_ =	sdelay $0x1  }
0x197: {  	s26 =	simm.s32 $0x1400  }
0x198: {  	[tilespmem:s26], [sflag:$0x1] =	stream.indirect_vreg.gather [hbm4b:s2+s3], $0x80, v4, vm0, $0xb8;
	[tilespmem:$0x10400] =	vst v63  }
0x199: {  	_ = 	snop  }
0x19a: {  	[tilespmem:s20], [sflag:$0x1] =	stream.indirect_vreg.gather [hbm4b:s2+s3], $0x80, v3, vm0, $0xb8;
	[tilespmem:$0x10400] =	vst v63  }
0x19b: {  	v3 =	vld [tilespmem:$0x220];
	_ =	sdelay $0x4  }
0x19c: {  	v34 =	vshll.u32 v3, $0x1  }
0x19d: {  	v3 =	vand.u32 $0x7, v3;
	v4 =	vand.u32 $0xFFFFFFF0, v34  }
0x19e: {  	v3 =	vor.u32 v3, v4  }
0x19f: {  	v4 =	vperm.xlane v3, v0;
	_ =	sdelay $0x1  }
0x1a0: {  	v3 =	vperm.xlane v3, v2;
	v4 =	vadd.s32 v1, v4;
	_ =	sdelay $0x1  }
0x1a1: {  	v3 =	vadd.s32 v1, v3;
	_ =	sdelay $0x1  }
0x1a2: {  	s29 =	simm.s32 $0x2400  }
0x1a3: {  	[tilespmem:s29], [sflag:$0x1] =	stream.indirect_vreg.gather [hbm4b:s2+s3], $0x80, v4, vm0, $0xb8;
	[tilespmem:$0x10400] =	vst v63  }
0x1a4: {  	s25 =	simm.s32 $0x2C00  }
0x1a5: {  	[tilespmem:s25], [sflag:$0x1] =	stream.indirect_vreg.gather [hbm4b:s2+s3], $0x80, v3, vm0, $0xb8;
	[tilespmem:$0x10400] =	vst v63  }
0x1a6: {  	v3 =	vld [tilespmem:$0x230];
	_ =	sdelay $0x4  }
0x1a7: {  	v35 =	vshll.u32 v3, $0x1  }
0x1a8: {  	v3 =	vand.u32 $0x7, v3;
	v4 =	vand.u32 $0xFFFFFFF0, v35  }
0x1a9: {  	v3 =	vor.u32 v3, v4  }
0x1aa: {  	v4 =	vperm.xlane v3, v0;
	_ =	sdelay $0x1  }
0x1ab: {  	v3 =	vperm.xlane v3, v2;
	v4 =	vadd.s32 v1, v4;
	_ =	sdelay $0x1  }
0x1ac: {  	v3 =	vadd.s32 v1, v3;
	_ =	sdelay $0x2  }
0x1ad: {  	[tilespmem:s8], [sflag:$0x1] =	stream.indirect_vreg.gather [hbm4b:s2+s3], $0x80, v4, vm0, $0xb8;
	[tilespmem:$0x10400] =	vst v63  }
0x1ae: {  	_ = 	snop  }
0x1af: {  	[tilespmem:s11], [sflag:$0x1] =	stream.indirect_vreg.gather [hbm4b:s2+s3], $0x80, v3, vm0, $0xb8;
	[tilespmem:$0x10400] =	vst v63  }
0x1b0: {  	v3 =	vld [tilespmem:$0x240];
	_ =	sdelay $0x4  }
0x1b1: {  	v36 =	vshll.u32 v3, $0x1  }
0x1b2: {  	v3 =	vand.u32 $0x7, v3;
	v4 =	vand.u32 $0xFFFFFFF0, v36  }
0x1b3: {  	v3 =	vor.u32 v3, v4  }
0x1b4: {  	v4 =	vperm.xlane v3, v0;
	_ =	sdelay $0x1  }
0x1b5: {  	v3 =	vperm.xlane v3, v2;
	v4 =	vadd.s32 v1, v4;
	_ =	sdelay $0x1  }
0x1b6: {  	v3 =	vadd.s32 v1, v3;
	_ =	sdelay $0x2  }
0x1b7: {  	[tilespmem:s9], [sflag:$0x1] =	stream.indirect_vreg.gather [hbm4b:s2+s3], $0x80, v4, vm0, $0xb8;
	[tilespmem:$0x10400] =	vst v63  }
0x1b8: {  	_ = 	snop  }
0x1b9: {  	[tilespmem:s12], [sflag:$0x1] =	stream.indirect_vreg.gather [hbm4b:s2+s3], $0x80, v3, vm0, $0xb8;
	[tilespmem:$0x10400] =	vst v63  }
0x1ba: {  	v3 =	vld [tilespmem:$0x250];
	_ =	sdelay $0x4  }
0x1bb: {  	v37 =	vshll.u32 v3, $0x1  }
0x1bc: {  	v3 =	vand.u32 $0x7, v3;
	v4 =	vand.u32 $0xFFFFFFF0, v37  }
0x1bd: {  	v3 =	vor.u32 v3, v4  }
0x1be: {  	v4 =	vperm.xlane v3, v0;
	_ =	sdelay $0x1  }
0x1bf: {  	v3 =	vperm.xlane v3, v2;
	v4 =	vadd.s32 v1, v4;
	_ =	sdelay $0x1  }
0x1c0: {  	v3 =	vadd.s32 v1, v3;
	_ =	sdelay $0x1  }
0x1c1: {  	s26 =	simm.s32 $0x5400  }
0x1c2: {  	[tilespmem:s26], [sflag:$0x1] =	stream.indirect_vreg.gather [hbm4b:s2+s3], $0x80, v4, vm0, $0xb8;
	[tilespmem:$0x10400] =	vst v63  }
0x1c3: {  	s29 =	simm.s32 $0x5C00  }
0x1c4: {  	[tilespmem:s29], [sflag:$0x1] =	stream.indirect_vreg.gather [hbm4b:s2+s3], $0x80, v3, vm0, $0xb8;
	[tilespmem:$0x10400] =	vst v63  }
0x1c5: {  	v3 =	vld [tilespmem:$0x260];
	_ =	sdelay $0x4  }
0x1c6: {  	v38 =	vshll.u32 v3, $0x1  }
0x1c7: {  	v3 =	vand.u32 $0x7, v3;
	v4 =	vand.u32 $0xFFFFFFF0, v38  }
0x1c8: {  	v3 =	vor.u32 v3, v4  }
0x1c9: {  	v4 =	vperm.xlane v3, v0;
	_ =	sdelay $0x1  }
0x1ca: {  	v3 =	vperm.xlane v3, v2;
	v4 =	vadd.s32 v1, v4;
	_ =	sdelay $0x1  }
0x1cb: {  	v3 =	vadd.s32 v1, v3;
	_ =	sdelay $0x2  }
0x1cc: {  	[tilespmem:s16], [sflag:$0x1] =	stream.indirect_vreg.gather [hbm4b:s2+s3], $0x80, v4, vm0, $0xb8;
	[tilespmem:$0x10400] =	vst v63  }
0x1cd: {  	_ = 	snop  }
0x1ce: {  	[tilespmem:s17], [sflag:$0x1] =	stream.indirect_vreg.gather [hbm4b:s2+s3], $0x80, v3, vm0, $0xb8;
	[tilespmem:$0x10400] =	vst v63  }
0x1cf: {  	v3 =	vld [tilespmem:$0x270];
	_ =	sdelay $0x4  }
0x1d0: {  	v39 =	vshll.u32 v3, $0x1  }
0x1d1: {  	v3 =	vand.u32 $0x7, v3;
	v4 =	vand.u32 $0xFFFFFFF0, v39  }
0x1d2: {  	v3 =	vor.u32 v3, v4  }
0x1d3: {  	v4 =	vperm.xlane v3, v0;
	_ =	sdelay $0x1  }
0x1d4: {  	v3 =	vperm.xlane v3, v2;
	v4 =	vadd.s32 v1, v4;
	_ =	sdelay $0x1  }
0x1d5: {  	v3 =	vadd.s32 v1, v3;
	_ =	sdelay $0x2  }
0x1d6: {  	[tilespmem:s18], [sflag:$0x1] =	stream.indirect_vreg.gather [hbm4b:s2+s3], $0x80, v4, vm0, $0xb8;
	[tilespmem:$0x10400] =	vst v63  }
0x1d7: {  	_ = 	snop  }
0x1d8: {  	[tilespmem:s10], [sflag:$0x1] =	stream.indirect_vreg.gather [hbm4b:s2+s3], $0x80, v3, vm0, $0xb8;
	[tilespmem:$0x10400] =	vst v63  }
0x1d9: {  	_ =	swait.ge [sflag:s14], $0x8000  }
0x1da: {  	[sflag:s14] =	ssyncset.done $0x0  }
0x1db: {  	s25 =	rddreg [dreg:$0x6];
	[sflag:s14] =	ssyncadd.s32 $0xFFFF8000  }
0x1dc: {  	[hbm4b:s25+s3] =	stream.linear.scatter [tilespmem:s23], [sflag:$0x3], $0x8000, $0x38;
	[tilespmem:$0x10400] =	vst v63  }
0x1dd: {  	_ =	swait.ge [sflag:s6], $0x8000  }
0x1de: {  	[sflag:s6] =	ssyncset.done $0x0  }
0x1df: {  	[sflag:s6] =	ssyncadd.s32 $0xFFFF8000  }
0x1e0: {  	v3 =	vld [tilespmem:$0x280];
	_ =	sdelay $0x4  }
0x1e1: {  	v40 =	vshll.u32 v3, $0x1  }
0x1e2: {  	v3 =	vand.u32 $0x7, v3;
	v4 =	vand.u32 $0xFFFFFFF0, v40  }
0x1e3: {  	v3 =	vor.u32 v3, v4  }
0x1e4: {  	v4 =	vperm.xlane v3, v0;
	_ =	sdelay $0x1  }
0x1e5: {  	v3 =	vperm.xlane v3, v2;
	v4 =	vadd.s32 v1, v4;
	_ =	sdelay $0x1  }
0x1e6: {  	v3 =	vadd.s32 v1, v3;
	_ =	sdelay $0x2  }
0x1e7: {  	[tilespmem:s23], [sflag:$0x2] =	stream.indirect_vreg.gather [hbm4b:s2+s3], $0x80, v4, vm0, $0xb8;
	[tilespmem:$0x10400] =	vst v63  }
0x1e8: {  	s26 =	simm.s32 $0x8C00  }
0x1e9: {  	[tilespmem:s26], [sflag:$0x2] =	stream.indirect_vreg.gather [hbm4b:s2+s3], $0x80, v3, vm0, $0xb8;
	[tilespmem:$0x10400] =	vst v63  }
0x1ea: {  	v3 =	vld [tilespmem:$0x290];
	_ =	sdelay $0x4  }
0x1eb: {  	v41 =	vshll.u32 v3, $0x1  }
0x1ec: {  	v3 =	vand.u32 $0x7, v3;
	v4 =	vand.u32 $0xFFFFFFF0, v41  }
0x1ed: {  	v3 =	vor.u32 v3, v4  }
0x1ee: {  	v4 =	vperm.xlane v3, v0;
	_ =	sdelay $0x1  }
0x1ef: {  	v3 =	vperm.xlane v3, v2;
	v4 =	vadd.s32 v1, v4;
	_ =	sdelay $0x1  }
0x1f0: {  	v3 =	vadd.s32 v1, v3;
	_ =	sdelay $0x2  }
0x1f1: {  	[tilespmem:s0], [sflag:$0x2] =	stream.indirect_vreg.gather [hbm4b:s2+s3], $0x80, v4, vm0, $0xb8;
	[tilespmem:$0x10400] =	vst v63  }
0x1f2: {  	_ = 	snop  }
0x1f3: {  	[tilespmem:s4], [sflag:$0x2] =	stream.indirect_vreg.gather [hbm4b:s2+s3], $0x80, v3, vm0, $0xb8;
	[tilespmem:$0x10400] =	vst v63  }
0x1f4: {  	v3 =	vld [tilespmem:$0x2A0];
	_ =	sdelay $0x4  }
0x1f5: {  	v42 =	vshll.u32 v3, $0x1  }
0x1f6: {  	v3 =	vand.u32 $0x7, v3;
	v4 =	vand.u32 $0xFFFFFFF0, v42  }
0x1f7: {  	v3 =	vor.u32 v3, v4  }
0x1f8: {  	v4 =	vperm.xlane v3, v0;
	_ =	sdelay $0x1  }
0x1f9: {  	v3 =	vperm.xlane v3, v2;
	v4 =	vadd.s32 v1, v4;
	_ =	sdelay $0x1  }
0x1fa: {  	v3 =	vadd.s32 v1, v3;
	_ =	sdelay $0x2  }
0x1fb: {  	[tilespmem:s1], [sflag:$0x2] =	stream.indirect_vreg.gather [hbm4b:s2+s3], $0x80, v4, vm0, $0xb8;
	[tilespmem:$0x10400] =	vst v63  }
0x1fc: {  	_ = 	snop  }
0x1fd: {  	[tilespmem:s7], [sflag:$0x2] =	stream.indirect_vreg.gather [hbm4b:s2+s3], $0x80, v3, vm0, $0xb8;
	[tilespmem:$0x10400] =	vst v63  }
0x1fe: {  	v3 =	vld [tilespmem:$0x2B0];
	_ =	sdelay $0x4  }
0x1ff: {  	v43 =	vshll.u32 v3, $0x1  }
0x200: {  	v3 =	vand.u32 $0x7, v3;
	v4 =	vand.u32 $0xFFFFFFF0, v43  }
0x201: {  	v3 =	vor.u32 v3, v4  }
0x202: {  	v4 =	vperm.xlane v3, v0;
	_ =	sdelay $0x1  }
0x203: {  	v3 =	vperm.xlane v3, v2;
	v4 =	vadd.s32 v1, v4;
	_ =	sdelay $0x1  }
0x204: {  	v3 =	vadd.s32 v1, v3;
	_ =	sdelay $0x1  }
0x205: {  	s28 =	simm.s32 $0xB400  }
0x206: {  	[tilespmem:s28], [sflag:$0x2] =	stream.indirect_vreg.gather [hbm4b:s2+s3], $0x80, v4, vm0, $0xb8;
	[tilespmem:$0x10400] =	vst v63  }
0x207: {  	s29 =	simm.s32 $0xBC00  }
0x208: {  	[tilespmem:s29], [sflag:$0x2] =	stream.indirect_vreg.gather [hbm4b:s2+s3], $0x80, v3, vm0, $0xb8;
	[tilespmem:$0x10400] =	vst v63  }
0x209: {  	v3 =	vld [tilespmem:$0x2C0];
	_ =	sdelay $0x4  }
0x20a: {  	v44 =	vshll.u32 v3, $0x1  }
0x20b: {  	v3 =	vand.u32 $0x7, v3;
	v4 =	vand.u32 $0xFFFFFFF0, v44  }
0x20c: {  	v3 =	vor.u32 v3, v4  }
0x20d: {  	v4 =	vperm.xlane v3, v0;
	_ =	sdelay $0x1  }
0x20e: {  	v3 =	vperm.xlane v3, v2;
	v4 =	vadd.s32 v1, v4;
	_ =	sdelay $0x1  }
0x20f: {  	v3 =	vadd.s32 v1, v3;
	_ =	sdelay $0x1  }
0x210: {  	s21 =	simm.s32 $0xC400  }
0x211: {  	[tilespmem:s21], [sflag:$0x2] =	stream.indirect_vreg.gather [hbm4b:s2+s3], $0x80, v4, vm0, $0xb8;
	[tilespmem:$0x10400] =	vst v63  }
0x212: {  	s19 =	simm.s32 $0xCC00  }
0x213: {  	[tilespmem:s19], [sflag:$0x2] =	stream.indirect_vreg.gather [hbm4b:s2+s3], $0x80, v3, vm0, $0xb8;
	[tilespmem:$0x10400] =	vst v63  }
0x214: {  	v3 =	vld [tilespmem:$0x2D0];
	_ =	sdelay $0x4  }
0x215: {  	v45 =	vshll.u32 v3, $0x1  }
0x216: {  	v3 =	vand.u32 $0x7, v3;
	v4 =	vand.u32 $0xFFFFFFF0, v45  }
0x217: {  	v3 =	vor.u32 v3, v4  }
0x218: {  	v4 =	vperm.xlane v3, v0;
	_ =	sdelay $0x1  }
0x219: {  	v3 =	vperm.xlane v3, v2;
	v4 =	vadd.s32 v1, v4;
	_ =	sdelay $0x1  }
0x21a: {  	v3 =	vadd.s32 v1, v3;
	_ =	sdelay $0x1  }
0x21b: {  	s19 =	simm.s32 $0xD400  }
0x21c: {  	[tilespmem:s19], [sflag:$0x2] =	stream.indirect_vreg.gather [hbm4b:s2+s3], $0x80, v4, vm0, $0xb8;
	[tilespmem:$0x10400] =	vst v63  }
0x21d: {  	s31 =	simm.s32 $0xDC00  }
0x21e: {  	[tilespmem:s31], [sflag:$0x2] =	stream.indirect_vreg.gather [hbm4b:s2+s3], $0x80, v3, vm0, $0xb8;
	[tilespmem:$0x10400] =	vst v63  }
0x21f: {  	v3 =	vld [tilespmem:$0x2E0];
	_ =	sdelay $0x4  }
0x220: {  	v46 =	vshll.u32 v3, $0x1  }
0x221: {  	v3 =	vand.u32 $0x7, v3;
	v4 =	vand.u32 $0xFFFFFFF0, v46  }
0x222: {  	v3 =	vor.u32 v3, v4  }
0x223: {  	v4 =	vperm.xlane v3, v0;
	_ =	sdelay $0x1  }
0x224: {  	v3 =	vperm.xlane v3, v2;
	v4 =	vadd.s32 v1, v4;
	_ =	sdelay $0x1  }
0x225: {  	v3 =	vadd.s32 v1, v3;
	_ =	sdelay $0x1  }
0x226: {  	s22 =	simm.s32 $0xE400  }
0x227: {  	[tilespmem:s22], [sflag:$0x2] =	stream.indirect_vreg.gather [hbm4b:s2+s3], $0x80, v4, vm0, $0xb8;
	[tilespmem:$0x10400] =	vst v63  }
0x228: {  	s22 =	simm.s32 $0xEC00  }
0x229: {  	[tilespmem:s22], [sflag:$0x2] =	stream.indirect_vreg.gather [hbm4b:s2+s3], $0x80, v3, vm0, $0xb8;
	[tilespmem:$0x10400] =	vst v63  }
0x22a: {  	v3 =	vld [tilespmem:$0x2F0];
	_ =	sdelay $0x4  }
0x22b: {  	v47 =	vshll.u32 v3, $0x1  }
0x22c: {  	v3 =	vand.u32 $0x7, v3;
	v4 =	vand.u32 $0xFFFFFFF0, v47  }
0x22d: {  	v3 =	vor.u32 v3, v4  }
0x22e: {  	v4 =	vperm.xlane v3, v0;
	_ =	sdelay $0x1  }
0x22f: {  	v3 =	vperm.xlane v3, v2;
	v4 =	vadd.s32 v1, v4;
	_ =	sdelay $0x1  }
0x230: {  	v3 =	vadd.s32 v1, v3;
	_ =	sdelay $0x1  }
0x231: {  	s31 =	simm.s32 $0xF400  }
0x232: {  	[tilespmem:s31], [sflag:$0x2] =	stream.indirect_vreg.gather [hbm4b:s2+s3], $0x80, v4, vm0, $0xb8;
	[tilespmem:$0x10400] =	vst v63  }
0x233: {  	s30 =	simm.s32 $0xFC00  }
0x234: {  	[tilespmem:s30], [sflag:$0x2] =	stream.indirect_vreg.gather [hbm4b:s2+s3], $0x80, v3, vm0, $0xb8;
	[tilespmem:$0x10400] =	vst v63  }
0x235: {  	_ =	swait.ge [sflag:s13], $0x8000  }
0x236: {  	[sflag:s13] =	ssyncset.done $0x0  }
0x237: {  	s30 =	rddreg [dreg:$0x7];
	[sflag:s13] =	ssyncadd.s32 $0xFFFF8000  }
0x238: {  	[hbm4b:s30+s3] =	stream.linear.scatter [tilespmem:s24], [sflag:$0x3], $0x8000, $0x38;
	[tilespmem:$0x10400] =	vst v63  }
0x239: {  	_ =	swait.ge [sflag:s6], $0x8000  }
0x23a: {  	[sflag:s6] =	ssyncset.done $0x0  }
0x23b: {  	[sflag:s6] =	ssyncadd.s32 $0xFFFF8000  }
0x23c: {  	v3 =	vld [tilespmem:$0x300];
	_ =	sdelay $0x4  }
0x23d: {  	v48 =	vshll.u32 v3, $0x1  }
0x23e: {  	v3 =	vand.u32 $0x7, v3;
	v4 =	vand.u32 $0xFFFFFFF0, v48  }
0x23f: {  	v3 =	vor.u32 v3, v4  }
0x240: {  	v4 =	vperm.xlane v3, v0;
	_ =	sdelay $0x1  }
0x241: {  	v3 =	vperm.xlane v3, v2;
	v4 =	vadd.s32 v1, v4;
	_ =	sdelay $0x1  }
0x242: {  	v3 =	vadd.s32 v1, v3;
	_ =	sdelay $0x2  }
0x243: {  	[tilespmem:s24], [sflag:$0x1] =	stream.indirect_vreg.gather [hbm4b:s2+s3], $0x80, v4, vm0, $0xb8;
	[tilespmem:$0x10400] =	vst v63  }
0x244: {  	s30 =	simm.s32 $0xC00  }
0x245: {  	[tilespmem:s30], [sflag:$0x1] =	stream.indirect_vreg.gather [hbm4b:s2+s3], $0x80, v3, vm0, $0xb8;
	[tilespmem:$0x10400] =	vst v63  }
0x246: {  	v3 =	vld [tilespmem:$0x310];
	_ =	sdelay $0x4  }
0x247: {  	v49 =	vshll.u32 v3, $0x1  }
0x248: {  	v3 =	vand.u32 $0x7, v3;
	v4 =	vand.u32 $0xFFFFFFF0, v49  }
0x249: {  	v3 =	vor.u32 v3, v4  }
0x24a: {  	v4 =	vperm.xlane v3, v0;
	_ =	sdelay $0x1  }
0x24b: {  	v3 =	vperm.xlane v3, v2;
	v4 =	vadd.s32 v1, v4;
	_ =	sdelay $0x1  }
0x24c: {  	v3 =	vadd.s32 v1, v3;
	_ =	sdelay $0x1  }
0x24d: {  	s30 =	simm.s32 $0x1400  }
0x24e: {  	[tilespmem:s30], [sflag:$0x1] =	stream.indirect_vreg.gather [hbm4b:s2+s3], $0x80, v4, vm0, $0xb8;
	[tilespmem:$0x10400] =	vst v63  }
0x24f: {  	s20 =	simm.s32 $0x1C00  }
0x250: {  	[tilespmem:s20], [sflag:$0x1] =	stream.indirect_vreg.gather [hbm4b:s2+s3], $0x80, v3, vm0, $0xb8;
	[tilespmem:$0x10400] =	vst v63  }
0x251: {  	v3 =	vld [tilespmem:$0x320];
	_ =	sdelay $0x4  }
0x252: {  	v50 =	vshll.u32 v3, $0x1  }
0x253: {  	v3 =	vand.u32 $0x7, v3;
	v4 =	vand.u32 $0xFFFFFFF0, v50  }
0x254: {  	v3 =	vor.u32 v3, v4  }
0x255: {  	v4 =	vperm.xlane v3, v0;
	_ =	sdelay $0x1  }
0x256: {  	v3 =	vperm.xlane v3, v2;
	v4 =	vadd.s32 v1, v4;
	_ =	sdelay $0x1  }
0x257: {  	v3 =	vadd.s32 v1, v3;
	_ =	sdelay $0x1  }
0x258: {  	s20 =	simm.s32 $0x2400  }
0x259: {  	[tilespmem:s20], [sflag:$0x1] =	stream.indirect_vreg.gather [hbm4b:s2+s3], $0x80, v4, vm0, $0xb8;
	[tilespmem:$0x10400] =	vst v63  }
0x25a: {  	s30 =	simm.s32 $0x2C00  }
0x25b: {  	[tilespmem:s30], [sflag:$0x1] =	stream.indirect_vreg.gather [hbm4b:s2+s3], $0x80, v3, vm0, $0xb8;
	[tilespmem:$0x10400] =	vst v63  }
0x25c: {  	v3 =	vld [tilespmem:$0x330];
	_ =	sdelay $0x4  }
0x25d: {  	v51 =	vshll.u32 v3, $0x1  }
0x25e: {  	v3 =	vand.u32 $0x7, v3;
	v4 =	vand.u32 $0xFFFFFFF0, v51  }
0x25f: {  	v3 =	vor.u32 v3, v4  }
0x260: {  	v4 =	vperm.xlane v3, v0;
	_ =	sdelay $0x1  }
0x261: {  	v3 =	vperm.xlane v3, v2;
	v4 =	vadd.s32 v1, v4;
	_ =	sdelay $0x1  }
0x262: {  	v3 =	vadd.s32 v1, v3;
	_ =	sdelay $0x1  }
0x263: {  	s8 =	simm.s32 $0x3400  }
0x264: {  	[tilespmem:s8], [sflag:$0x1] =	stream.indirect_vreg.gather [hbm4b:s2+s3], $0x80, v4, vm0, $0xb8;
	[tilespmem:$0x10400] =	vst v63  }
0x265: {  	s11 =	simm.s32 $0x3C00  }
0x266: {  	[tilespmem:s11], [sflag:$0x1] =	stream.indirect_vreg.gather [hbm4b:s2+s3], $0x80, v3, vm0, $0xb8;
	[tilespmem:$0x10400] =	vst v63  }
0x267: {  	v3 =	vld [tilespmem:$0x340];
	_ =	sdelay $0x4  }
0x268: {  	v52 =	vshll.u32 v3, $0x1  }
0x269: {  	v3 =	vand.u32 $0x7, v3;
	v4 =	vand.u32 $0xFFFFFFF0, v52  }
0x26a: {  	v3 =	vor.u32 v3, v4  }
0x26b: {  	v4 =	vperm.xlane v3, v0;
	_ =	sdelay $0x1  }
0x26c: {  	v3 =	vperm.xlane v3, v2;
	v4 =	vadd.s32 v1, v4;
	_ =	sdelay $0x1  }
0x26d: {  	v3 =	vadd.s32 v1, v3;
	_ =	sdelay $0x1  }
0x26e: {  	s9 =	simm.s32 $0x4400  }
0x26f: {  	[tilespmem:s9], [sflag:$0x1] =	stream.indirect_vreg.gather [hbm4b:s2+s3], $0x80, v4, vm0, $0xb8;
	[tilespmem:$0x10400] =	vst v63  }
0x270: {  	s12 =	simm.s32 $0x4C00  }
0x271: {  	[tilespmem:s12], [sflag:$0x1] =	stream.indirect_vreg.gather [hbm4b:s2+s3], $0x80, v3, vm0, $0xb8;
	[tilespmem:$0x10400] =	vst v63  }
0x272: {  	v3 =	vld [tilespmem:$0x350];
	_ =	sdelay $0x4  }
0x273: {  	v53 =	vshll.u32 v3, $0x1  }
0x274: {  	v3 =	vand.u32 $0x7, v3;
	v4 =	vand.u32 $0xFFFFFFF0, v53  }
0x275: {  	v3 =	vor.u32 v3, v4  }
0x276: {  	v4 =	vperm.xlane v3, v0;
	_ =	sdelay $0x1  }
0x277: {  	v3 =	vperm.xlane v3, v2;
	v4 =	vadd.s32 v1, v4;
	_ =	sdelay $0x1  }
0x278: {  	v3 =	vadd.s32 v1, v3;
	_ =	sdelay $0x1  }
0x279: {  	s12 =	simm.s32 $0x5400  }
0x27a: {  	[tilespmem:s12], [sflag:$0x1] =	stream.indirect_vreg.gather [hbm4b:s2+s3], $0x80, v4, vm0, $0xb8;
	[tilespmem:$0x10400] =	vst v63  }
0x27b: {  	s15 =	simm.s32 $0x5C00  }
0x27c: {  	[tilespmem:s15], [sflag:$0x1] =	stream.indirect_vreg.gather [hbm4b:s2+s3], $0x80, v3, vm0, $0xb8;
	[tilespmem:$0x10400] =	vst v63  }
0x27d: {  	v3 =	vld [tilespmem:$0x360];
	_ =	sdelay $0x4  }
0x27e: {  	v54 =	vshll.u32 v3, $0x1  }
0x27f: {  	v3 =	vand.u32 $0x7, v3;
	v4 =	vand.u32 $0xFFFFFFF0, v54  }
0x280: {  	v3 =	vor.u32 v3, v4  }
0x281: {  	v4 =	vperm.xlane v3, v0;
	_ =	sdelay $0x1  }
0x282: {  	v3 =	vperm.xlane v3, v2;
	v4 =	vadd.s32 v1, v4;
	_ =	sdelay $0x1  }
0x283: {  	v3 =	vadd.s32 v1, v3;
	_ =	sdelay $0x1  }
0x284: {  	s16 =	simm.s32 $0x6400  }
0x285: {  	[tilespmem:s16], [sflag:$0x1] =	stream.indirect_vreg.gather [hbm4b:s2+s3], $0x80, v4, vm0, $0xb8;
	[tilespmem:$0x10400] =	vst v63  }
0x286: {  	s17 =	simm.s32 $0x6C00  }
0x287: {  	[tilespmem:s17], [sflag:$0x1] =	stream.indirect_vreg.gather [hbm4b:s2+s3], $0x80, v3, vm0, $0xb8;
	[tilespmem:$0x10400] =	vst v63  }
0x288: {  	v3 =	vld [tilespmem:$0x370];
	_ =	sdelay $0x4  }
0x289: {  	v55 =	vshll.u32 v3, $0x1  }
0x28a: {  	v3 =	vand.u32 $0x7, v3;
	v4 =	vand.u32 $0xFFFFFFF0, v55  }
0x28b: {  	v3 =	vor.u32 v3, v4  }
0x28c: {  	v4 =	vperm.xlane v3, v0;
	_ =	sdelay $0x1  }
0x28d: {  	v3 =	vperm.xlane v3, v2;
	v4 =	vadd.s32 v1, v4;
	_ =	sdelay $0x1  }
0x28e: {  	v3 =	vadd.s32 v1, v3;
	_ =	sdelay $0x1  }
0x28f: {  	s18 =	simm.s32 $0x7400  }
0x290: {  	[tilespmem:s18], [sflag:$0x1] =	stream.indirect_vreg.gather [hbm4b:s2+s3], $0x80, v4, vm0, $0xb8;
	[tilespmem:$0x10400] =	vst v63  }
0x291: {  	s10 =	simm.s32 $0x7C00  }
0x292: {  	[tilespmem:s10], [sflag:$0x1] =	stream.indirect_vreg.gather [hbm4b:s2+s3], $0x80, v3, vm0, $0xb8;
	[tilespmem:$0x10400] =	vst v63  }
0x293: {  	_ =	swait.ge [sflag:s14], $0x8000  }
0x294: {  	[sflag:s14] =	ssyncset.done $0x0  }
0x295: {  	s18 =	rddreg [dreg:$0x8];
	[sflag:s14] =	ssyncadd.s32 $0xFFFF8000  }
0x296: {  	[hbm4b:s18+s3] =	stream.linear.scatter [tilespmem:s23], [sflag:$0x3], $0x8000, $0x38;
	[tilespmem:$0x10400] =	vst v63  }
0x297: {  	_ =	swait.ge [sflag:s6], $0x8000  }
0x298: {  	[sflag:s6] =	ssyncset.done $0x0  }
0x299: {  	[sflag:s6] =	ssyncadd.s32 $0xFFFF8000  }
0x29a: {  	v3 =	vld [tilespmem:$0x380];
	_ =	sdelay $0x4  }
0x29b: {  	v56 =	vshll.u32 v3, $0x1  }
0x29c: {  	v3 =	vand.u32 $0x7, v3;
	v4 =	vand.u32 $0xFFFFFFF0, v56  }
0x29d: {  	v3 =	vor.u32 v3, v4  }
0x29e: {  	v4 =	vperm.xlane v3, v0;
	_ =	sdelay $0x1  }
0x29f: {  	v3 =	vperm.xlane v3, v2;
	v4 =	vadd.s32 v1, v4;
	_ =	sdelay $0x1  }
0x2a0: {  	v3 =	vadd.s32 v1, v3;
	_ =	sdelay $0x2  }
0x2a1: {  	[tilespmem:s23], [sflag:$0x2] =	stream.indirect_vreg.gather [hbm4b:s2+s3], $0x80, v4, vm0, $0xb8;
	[tilespmem:$0x10400] =	vst v63  }
0x2a2: {  	s20 =	simm.s32 $0x8C00  }
0x2a3: {  	[tilespmem:s20], [sflag:$0x2] =	stream.indirect_vreg.gather [hbm4b:s2+s3], $0x80, v3, vm0, $0xb8;
	[tilespmem:$0x10400] =	vst v63  }
0x2a4: {  	v3 =	vld [tilespmem:$0x390];
	_ =	sdelay $0x4  }
0x2a5: {  	v57 =	vshll.u32 v3, $0x1  }
0x2a6: {  	v3 =	vand.u32 $0x7, v3;
	v4 =	vand.u32 $0xFFFFFFF0, v57  }
0x2a7: {  	v3 =	vor.u32 v3, v4  }
0x2a8: {  	v4 =	vperm.xlane v3, v0;
	_ =	sdelay $0x1  }
0x2a9: {  	v3 =	vperm.xlane v3, v2;
	v4 =	vadd.s32 v1, v4;
	_ =	sdelay $0x1  }
0x2aa: {  	v3 =	vadd.s32 v1, v3;
	_ =	sdelay $0x1  }
0x2ab: {  	s0 =	simm.s32 $0x9400  }
0x2ac: {  	[tilespmem:s0], [sflag:$0x2] =	stream.indirect_vreg.gather [hbm4b:s2+s3], $0x80, v4, vm0, $0xb8;
	[tilespmem:$0x10400] =	vst v63  }
0x2ad: {  	s4 =	simm.s32 $0x9C00  }
0x2ae: {  	[tilespmem:s4], [sflag:$0x2] =	stream.indirect_vreg.gather [hbm4b:s2+s3], $0x80, v3, vm0, $0xb8;
	[tilespmem:$0x10400] =	vst v63  }
0x2af: {  	v3 =	vld [tilespmem:$0x3A0];
	_ =	sdelay $0x4  }
0x2b0: {  	v58 =	vshll.u32 v3, $0x1  }
0x2b1: {  	v3 =	vand.u32 $0x7, v3;
	v4 =	vand.u32 $0xFFFFFFF0, v58  }
0x2b2: {  	v3 =	vor.u32 v3, v4  }
0x2b3: {  	v4 =	vperm.xlane v3, v0;
	_ =	sdelay $0x1  }
0x2b4: {  	v3 =	vperm.xlane v3, v2;
	v4 =	vadd.s32 v1, v4;
	_ =	sdelay $0x1  }
0x2b5: {  	v3 =	vadd.s32 v1, v3;
	_ =	sdelay $0x1  }
0x2b6: {  	s1 =	simm.s32 $0xA400  }
0x2b7: {  	[tilespmem:s1], [sflag:$0x2] =	stream.indirect_vreg.gather [hbm4b:s2+s3], $0x80, v4, vm0, $0xb8;
	[tilespmem:$0x10400] =	vst v63  }
0x2b8: {  	s7 =	simm.s32 $0xAC00  }
0x2b9: {  	[tilespmem:s7], [sflag:$0x2] =	stream.indirect_vreg.gather [hbm4b:s2+s3], $0x80, v3, vm0, $0xb8;
	[tilespmem:$0x10400] =	vst v63  }
0x2ba: {  	v3 =	vld [tilespmem:$0x3B0];
	_ =	sdelay $0x4  }
0x2bb: {  	v59 =	vshll.u32 v3, $0x1  }
0x2bc: {  	v3 =	vand.u32 $0x7, v3;
	v4 =	vand.u32 $0xFFFFFFF0, v59  }
0x2bd: {  	v3 =	vor.u32 v3, v4  }
0x2be: {  	v4 =	vperm.xlane v3, v0;
	_ =	sdelay $0x1  }
0x2bf: {  	v3 =	vperm.xlane v3, v2;
	v4 =	vadd.s32 v1, v4;
	_ =	sdelay $0x1  }
0x2c0: {  	v3 =	vadd.s32 v1, v3;
	_ =	sdelay $0x1  }
0x2c1: {  	s26 =	simm.s32 $0xB400  }
0x2c2: {  	[tilespmem:s26], [sflag:$0x2] =	stream.indirect_vreg.gather [hbm4b:s2+s3], $0x80, v4, vm0, $0xb8;
	[tilespmem:$0x10400] =	vst v63  }
0x2c3: {  	s26 =	simm.s32 $0xBC00  }
0x2c4: {  	[tilespmem:s26], [sflag:$0x2] =	stream.indirect_vreg.gather [hbm4b:s2+s3], $0x80, v3, vm0, $0xb8;
	[tilespmem:$0x10400] =	vst v63  }
0x2c5: {  	v3 =	vld [tilespmem:$0x3C0];
	_ =	sdelay $0x4  }
0x2c6: {  	v60 =	vshll.u32 v3, $0x1  }
0x2c7: {  	v3 =	vand.u32 $0x7, v3;
	v4 =	vand.u32 $0xFFFFFFF0, v60  }
0x2c8: {  	v3 =	vor.u32 v3, v4  }
0x2c9: {  	v4 =	vperm.xlane v3, v0;
	_ =	sdelay $0x1  }
0x2ca: {  	v3 =	vperm.xlane v3, v2;
	v4 =	vadd.s32 v1, v4;
	_ =	sdelay $0x1  }
0x2cb: {  	v3 =	vadd.s32 v1, v3;
	_ =	sdelay $0x1  }
0x2cc: {  	s28 =	simm.s32 $0xC400  }
0x2cd: {  	[tilespmem:s28], [sflag:$0x2] =	stream.indirect_vreg.gather [hbm4b:s2+s3], $0x80, v4, vm0, $0xb8;
	[tilespmem:$0x10400] =	vst v63  }
0x2ce: {  	s21 =	simm.s32 $0xCC00  }
0x2cf: {  	[tilespmem:s21], [sflag:$0x2] =	stream.indirect_vreg.gather [hbm4b:s2+s3], $0x80, v3, vm0, $0xb8;
	[tilespmem:$0x10400] =	vst v63  }
0x2d0: {  	v3 =	vld [tilespmem:$0x3D0];
	_ =	sdelay $0x4  }
0x2d1: {  	v61 =	vshll.u32 v3, $0x1  }
0x2d2: {  	v3 =	vand.u32 $0x7, v3;
	v4 =	vand.u32 $0xFFFFFFF0, v61  }
0x2d3: {  	v3 =	vor.u32 v3, v4  }
0x2d4: {  	v4 =	vperm.xlane v3, v0;
	_ =	sdelay $0x1  }
0x2d5: {  	v3 =	vperm.xlane v3, v2;
	v4 =	vadd.s32 v1, v4;
	_ =	sdelay $0x1  }
0x2d6: {  	v3 =	vadd.s32 v1, v3;
	_ =	sdelay $0x1  }
0x2d7: {  	s29 =	simm.s32 $0xD400  }
0x2d8: {  	[tilespmem:s29], [sflag:$0x2] =	stream.indirect_vreg.gather [hbm4b:s2+s3], $0x80, v4, vm0, $0xb8;
	[tilespmem:$0x10400] =	vst v63  }
0x2d9: {  	s25 =	simm.s32 $0xDC00  }
0x2da: {  	[tilespmem:s25], [sflag:$0x2] =	stream.indirect_vreg.gather [hbm4b:s2+s3], $0x80, v3, vm0, $0xb8;
	[tilespmem:$0x10400] =	vst v63  }
0x2db: {  	v3 =	vld [tilespmem:$0x3E0];
	_ =	sdelay $0x4  }
0x2dc: {  	v62 =	vshll.u32 v3, $0x1  }
0x2dd: {  	v3 =	vand.u32 $0x7, v3;
	v4 =	vand.u32 $0xFFFFFFF0, v62  }
0x2de: {  	v3 =	vor.u32 v3, v4  }
0x2df: {  	v4 =	vperm.xlane v3, v0;
	_ =	sdelay $0x1  }
0x2e0: {  	v3 =	vperm.xlane v3, v2;
	v4 =	vadd.s32 v1, v4;
	_ =	sdelay $0x1  }
0x2e1: {  	v3 =	vadd.s32 v1, v3;
	_ =	sdelay $0x1  }
0x2e2: {  	s19 =	simm.s32 $0xE400  }
0x2e3: {  	[tilespmem:s19], [sflag:$0x2] =	stream.indirect_vreg.gather [hbm4b:s2+s3], $0x80, v4, vm0, $0xb8;
	[tilespmem:$0x10400] =	vst v63  }
0x2e4: {  	s22 =	simm.s32 $0xEC00  }
0x2e5: {  	[tilespmem:s22], [sflag:$0x2] =	stream.indirect_vreg.gather [hbm4b:s2+s3], $0x80, v3, vm0, $0xb8;
	[tilespmem:$0x10400] =	vst v63  }
0x2e6: {  	v3 =	vld [tilespmem:$0x3F0];
	_ =	sdelay $0x4  }
0x2e7: {  	v63 =	vshll.u32 v3, $0x1  }
0x2e8: {  	v3 =	vand.u32 $0x7, v3;
	v4 =	vand.u32 $0xFFFFFFF0, v63  }
0x2e9: {  	v3 =	vor.u32 v3, v4  }
0x2ea: {  	v4 =	vperm.xlane v3, v0;
	_ =	sdelay $0x1  }
0x2eb: {  	v3 =	vperm.xlane v3, v2;
	v4 =	vadd.s32 v1, v4;
	_ =	sdelay $0x1  }
0x2ec: {  	v3 =	vadd.s32 v1, v3;
	_ =	sdelay $0x1  }
0x2ed: {  	s29 =	simm.s32 $0xF400  }
0x2ee: {  	[tilespmem:s29], [sflag:$0x2] =	stream.indirect_vreg.gather [hbm4b:s2+s3], $0x80, v4, vm0, $0xb8;
	[tilespmem:$0x10400] =	vst v63  }
0x2ef: {  	s31 =	simm.s32 $0xFC00  }
0x2f0: {  	[tilespmem:s31], [sflag:$0x2] =	stream.indirect_vreg.gather [hbm4b:s2+s3], $0x80, v3, vm0, $0xb8;
	[tilespmem:$0x10400] =	vst v63  }
0x2f1: {  	_ =	swait.ge [sflag:s13], $0x8000  }
0x2f2: {  	[sflag:s13] =	ssyncset.done $0x0  }
0x2f3: {  	s30 =	rddreg [dreg:$0x9];
	[sflag:s13] =	ssyncadd.s32 $0xFFFF8000  }
0x2f4: {  	[hbm4b:s30+s3] =	stream.linear.scatter [tilespmem:s24], [sflag:$0x3], $0x8000, $0x38;
	[tilespmem:$0x10400] =	vst v63  }
0x2f5: {  	_ =	swait.ge [sflag:s6], $0x8000  }
0x2f6: {  	[sflag:s6] =	ssyncset.done $0x0  }
0x2f7: {  	[sflag:s6] =	ssyncadd.s32 $0xFFFF8000  }
0x2f8: {  	_ =	swait.ge [sflag:s14], $0x8000  }
0x2f9: {  	p0 =	sne.s32 s5, $0x1;
	[sflag:s14] =	ssyncset.done $0x0  }
.Ltmp0:
0x2fa: {  	s31 =	rddreg [dreg:$0xa];
	[sflag:s14] =	ssyncadd.s32 $0xFFFF8000;
	(pc) =	sbr.rel @p0 .LBB2_1-.Ltmp0, $4  }
0x2fb: {  	[hbm4b:s31+s3] =	stream.linear.scatter [tilespmem:s23], [sflag:$0x3], $0x8000, $0x38;
	[tilespmem:$0x10400] =	vst v63  }
0x2fc: {  	_ =	swait.ge [sflag:s6], $0x8000  }
0x2fd: {  	[sflag:s6] =	ssyncset.done $0x0  }
0x2fe: {  	s5 =	sadd.s32 $0xFFFFFFFF, s5;
	[sflag:s6] =	ssyncadd.s32 $0xFFFF8000  }
0x2ff: {  	_ =	sfence.sel $0x180000  }
0x300: {  	[bflag:$0x0] =	sbarrier.arrive $0xFFFF  }
0x301: {  	_ =	strace $0x90000047  }
0x302: {  	s0 =	stileid.u32;
	[bflag:$0x2] =	sbarrier.arrive $0xFFFF  }
0x303: {  	p0 =	sne.s32 s0, $0x0;
	s0 =	rddreg [dreg:$0x2]  }
0x304: {  	s0 =	sadd.s32 @!p0 $0x100000, s0  }
0x305: {  	[sflag:s0] =	ssyncadd.tile.s32 @!p0 $0x1;
	_ =	shalt  }
.Lfunc_end2:
_tile_overlayer_lowered:
.L_overlay_start_2:
0x306: {  	(tag) =	ssettag $0x2  }
0x307: {  	s0 =	rddreg [dreg:$0x0];
	s2 =	stileid.u32  }
0x308: {  	s1 =	rddreg [dreg:$0x1];
	p0 =	sne.s32 s2, $0x0  }
0x309: {  	s3 =	rddreg [dreg:$0x2];
	[bflag:$0x3] =	sbarrier.arrive $0xFFFF;
	s2 =	simm.s32 @!p0 $0x1C03  }
0x30a: {  	[timem:s3], [sflag:s2] =	dma.local @!p0 [hbm:s0], s1  }
0x30b: {  	s0 =	simm.s32 @!p0 $0x3  }
0x30c: {  	_ =	swait.ge @!p0 [sflag:s0], s1  }
0x30d: {  	s1 =	ssub.s32 @!p0 $0x0, s1;
	[sflag:s0] =	ssyncset.done @!p0 $0x0  }
0x30e: {  	[sflag:s0] =	ssyncadd.s32 @!p0 s1  }
0x30f: {  	[bflag:$0x3] =	sbarrier.arrive $0xFFFF  }
0x310: {  	_ =	shalt  }

</sc_bundles>
